<compile_context>
chip_gen: v7x
topology: tpu7x:2x2x1
jax: 0.10.2.dev20260603
libtpu: 0.0.44.dev20260713+nightly
codegen_flags: <defaults>
</compile_context>

<pallas_src>
import jax
import jax.numpy as jnp
from jax.experimental import pallas as pl
from jax.experimental.pallas import tpu as pltpu

_DIM = 384
_HEADS = 12
_HD = 32
_NW = 7
_TOPK = 4
_RS = 8
_B = 4
_H = 56
_W = 56


def _stage1(x_ref, w_ref, b_ref, qkv_ref, pq_ref, pk_ref):
    xr = x_ref[0].reshape(_RS * _W, _DIM)
    y = jnp.dot(xr, w_ref[...], preferred_element_type=jnp.float32) + b_ref[...]
    qkv_ref[0] = y.reshape(_RS, _W, 3 * _DIM)
    pm = y.reshape(_RS, _NW, _RS, 3 * _DIM).mean(axis=(0, 2))
    pq_ref[0, 0] = pm[:, :_DIM]
    pk_ref[0, 0] = pm[:, _DIM:2 * _DIM]


def _route(pq_ref, pk_ref, idx_ref):
    nr = _NW * _NW
    qm = pq_ref[0].reshape(nr, _DIM)
    km = pk_ref[0].reshape(nr, _DIM)
    a = jax.lax.dot_general(qm, km, (((1,), (1,)), ((), ())),
                            preferred_element_type=jnp.float32)
    iota = jax.lax.broadcasted_iota(jnp.int32, (nr, nr), 1)
    cols = []
    for _ in range(_TOPK):
        m = jnp.max(a, axis=1, keepdims=True)
        sel = jnp.where(a >= m, iota, nr)
        it = jnp.min(sel, axis=1, keepdims=True)
        cols.append(it)
        a = jnp.where(iota == it, -jnp.inf, a)
    idx4 = jnp.concatenate(cols, axis=1)
    idx_ref[0] = jnp.concatenate(
        [idx4, jnp.zeros((nr, 128 - _TOPK), jnp.int32)], axis=1)


def _region_attn(q, K, V):
    q3 = q.reshape(_HEADS, _HD, 64)
    k3_ = K.reshape(_HEADS, _HD, 4 * 64)
    v3_ = V.reshape(_HEADS, _HD, 4 * 64)
    logits = jax.lax.dot_general(
        q3, k3_, (((1,), (1,)), ((0,), (0,))),
        preferred_element_type=jnp.float32)
    mx = jnp.max(logits, axis=-1, keepdims=True)
    e = jnp.exp(logits - mx)
    p = e / jnp.sum(e, axis=-1, keepdims=True)
    o = jax.lax.dot_general(
        v3_, p, (((2,), (2,)), ((0,), (0,))),
        preferred_element_type=jnp.float32)
    return o.reshape(_DIM, 64)


def _attn(idx_ref, q_ref, k0, k1, k2, k3, v0, v1, v2, v3, o_ref):
    scale = _DIM ** -0.5
    q = q_ref[0, 0] * scale
    K = jnp.concatenate([r[0, 0] for r in (k0, k1, k2, k3)],
                        axis=1)
    V = jnp.concatenate([r[0, 0] for r in (v0, v1, v2, v3)], axis=1)
    o_ref[0, 0] = _region_attn(q, K, V)


def _stage4(at_ref, vp_ref, wl_ref, wo_ref, bo_ref, o_ref):
    i = pl.program_id(1)
    acc = at_ref[0]
    vp = vp_ref[0, pl.ds(i * _RS, _RS + 4), :, :]
    for di in range(5):
        for dj in range(5):
            coef = wl_ref[0, di * 5 + dj]
            acc = acc + coef[None, None, :] * vp[di:di + _RS, dj:dj + _W, :]
    y = jnp.dot(acc.reshape(_RS * _W, _DIM), wo_ref[...],
                preferred_element_type=jnp.float32) + bo_ref[...]
    o_ref[0] = y.reshape(_RS, _W, _DIM)


def kernel(x, Wqkv, bqkv, Wlepe, blepe, Wout, bout):
    f32 = jnp.float32
    nr = _NW * _NW
    W2 = Wqkv.reshape(3 * _DIM, _DIM).T
    b2 = bqkv.reshape(1, 3 * _DIM)

    qkv, pq, pk = pl.pallas_call(
        _stage1,
        grid=(_B, _NW),
        in_specs=[
            pl.BlockSpec((1, _RS, _W, _DIM), lambda b, i: (b, i, 0, 0)),
            pl.BlockSpec((_DIM, 3 * _DIM), lambda b, i: (0, 0)),
            pl.BlockSpec((1, 3 * _DIM), lambda b, i: (0, 0)),
        ],
        out_specs=[
            pl.BlockSpec((1, _RS, _W, 3 * _DIM), lambda b, i: (b, i, 0, 0)),
            pl.BlockSpec((1, 1, _NW, _DIM), lambda b, i: (b, i, 0, 0)),
            pl.BlockSpec((1, 1, _NW, _DIM), lambda b, i: (b, i, 0, 0)),
        ],
        out_shape=[
            jax.ShapeDtypeStruct((_B, _H, _W, 3 * _DIM), f32),
            jax.ShapeDtypeStruct((_B, _NW, _NW, _DIM), f32),
            jax.ShapeDtypeStruct((_B, _NW, _NW, _DIM), f32),
        ],
    )(x.transpose(0, 2, 3, 1), W2, b2)

    idx_pad = pl.pallas_call(
        _route,
        grid=(_B,),
        in_specs=[
            pl.BlockSpec((1, _NW, _NW, _DIM), lambda b: (b, 0, 0, 0)),
            pl.BlockSpec((1, _NW, _NW, _DIM), lambda b: (b, 0, 0, 0)),
        ],
        out_specs=pl.BlockSpec((1, nr, 128), lambda b: (b, 0, 0)),
        out_shape=jax.ShapeDtypeStruct((_B, nr, 128), jnp.int32),
    )(pq, pk)
    idx = idx_pad[:, :, :_TOPK]

    qkv_cs = qkv.reshape(_B, _NW, _RS, _NW, _RS, 3 * _DIM).transpose(
        0, 1, 3, 5, 2, 4).reshape(_B, nr, 3 * _DIM, 64)

    def q_map(b, r, idx_ref):
        return (b, r, 0, 0)

    def kv_map(t, cblk):
        def m(b, r, idx_ref):
            return (b, idx_ref[b, r, t], cblk, 0)
        return m

    in_specs = [pl.BlockSpec((1, 1, _DIM, 64), q_map)]
    for t in range(_TOPK):
        in_specs.append(pl.BlockSpec((1, 1, _DIM, 64), kv_map(t, 1)))
    for t in range(_TOPK):
        in_specs.append(pl.BlockSpec((1, 1, _DIM, 64), kv_map(t, 2)))

    grid_spec = pltpu.PrefetchScalarGridSpec(
        num_scalar_prefetch=1,
        grid=(_B, nr),
        in_specs=in_specs,
        out_specs=pl.BlockSpec((1, 1, _DIM, 64), q_map),
    )
    attn_cs = pl.pallas_call(
        _attn,
        grid_spec=grid_spec,
        out_shape=jax.ShapeDtypeStruct((_B, nr, _DIM, 64), f32),
    )(idx, *([qkv_cs] * 9))

    attn = attn_cs.reshape(_B, _NW, _NW, _DIM, _RS, _RS).transpose(
        0, 1, 4, 2, 5, 3).reshape(_B, _H, _W, _DIM)

    v_pad = jnp.pad(qkv[:, :, :, 2 * _DIM:], ((0, 0), (2, 2), (2, 2), (0, 0)))
    wl = Wlepe.reshape(1, _DIM, 25).transpose(0, 2, 1)
    Wo = Wout.reshape(_DIM, _DIM).T
    bo = bout.reshape(1, _DIM)

    out = pl.pallas_call(
        _stage4,
        grid=(_B, _NW),
        in_specs=[
            pl.BlockSpec((1, _RS, _W, _DIM), lambda b, i: (b, i, 0, 0)),
            pl.BlockSpec((1, _H + 4, _W + 4, _DIM), lambda b, i: (b, 0, 0, 0)),
            pl.BlockSpec((1, 25, _DIM), lambda b, i: (0, 0, 0)),
            pl.BlockSpec((_DIM, _DIM), lambda b, i: (0, 0)),
            pl.BlockSpec((1, _DIM), lambda b, i: (0, 0)),
        ],
        out_specs=pl.BlockSpec((1, _RS, _W, _DIM), lambda b, i: (b, i, 0, 0)),
        out_shape=jax.ShapeDtypeStruct((_B, _H, _W, _DIM), f32),
    )(attn, v_pad, wl, Wo, bo)
    return out.transpose(0, 3, 1, 2)

# --- scband reference (transcript-rebuilt; emitter-appended) ---
"""Pipeline reference for scband-bi-level-routing-attention-60730837565678 (READ-ONLY COPY).

The authoritative reference and input builder live on the scoring server;
editing this copy changes nothing except your own understanding.
"""

import jax, jax.numpy as jnp
import numpy as np

DIM = 384
NUM_HEADS = 12
N_WIN_H = 7
N_WIN_W = 7
TOPK = 4
SIDE_DWCONV = 5


def _conv1x1(x, w, b):
    y = jax.lax.conv_general_dilated(x, w, (1, 1), 'VALID', dimension_numbers=('NCHW', 'OIHW', 'NCHW'))
    return y + b[None, :, None, None]


def _dwconv(x, w, b):
    pad = SIDE_DWCONV // 2
    y = jax.lax.conv_general_dilated(x, w, (1, 1), ((pad, pad), (pad, pad)), dimension_numbers=('NCHW', 'OIHW', 'NCHW'), feature_group_count=DIM)
    return y + b[None, :, None, None]


def _grid2seq(x, region_size, num_heads):
    B, C, H, W = x.shape
    rh = H // region_size[0]
    rw = W // region_size[1]
    hd = C // num_heads
    x = x.reshape(B, num_heads, hd, rh, region_size[0], rw, region_size[1])
    x = jnp.einsum('bmdhpwq->bmhwpqd', x)
    x = x.reshape(B, num_heads, rh * rw, region_size[0] * region_size[1], hd)
    return x, rh, rw


def _seq2grid(x, rh, rw, region_size):
    B, M, _, _, hd = x.shape
    x = x.reshape(B, M, rh, rw, region_size[0], region_size[1], hd)
    x = jnp.einsum('bmhwpqd->bmdhpwq', x)
    return x.reshape(B, M * hd, rh * region_size[0], rw * region_size[1])


def _forward(x, Wqkv, bqkv, Wlepe, blepe, Wout, bout):
    B, C, H, W = x.shape
    rs = (H // N_WIN_H, W // N_WIN_W)
    qkv = _conv1x1(x, Wqkv, bqkv)
    q, k, v = jnp.split(qkv, 3, axis=1)
    scale = DIM ** (-0.5)
    qd = jax.lax.stop_gradient(q)
    kd = jax.lax.stop_gradient(k)

    def pool(t):
        return t.reshape(B, C, N_WIN_H, rs[0], N_WIN_W, rs[1]).mean(axis=(3, 5))

    q_r = pool(qd).transpose(0, 2, 3, 1).reshape(B, N_WIN_H * N_WIN_W, C)
    k_r = pool(kd).reshape(B, C, N_WIN_H * N_WIN_W)
    a_r = q_r @ k_r
    _, idx_r = jax.lax.top_k(a_r, TOPK)
    idx = jnp.broadcast_to(idx_r[:, None], (B, NUM_HEADS, a_r.shape[1], TOPK))

    qs, rh, rw = _grid2seq(q, rs, NUM_HEADS)
    ks, _, _ = _grid2seq(k, rs, NUM_HEADS)
    vs, _, _ = _grid2seq(v, rs, NUM_HEADS)
    Bq, M, kv_nr, kv_rs, hd = ks.shape
    qn = qs.shape[2]
    key_g = jnp.take_along_axis(ks[:, :, None], idx[..., None, None], axis=3)
    val_g = jnp.take_along_axis(vs[:, :, None], idx[..., None, None], axis=3)
    key_g = key_g.reshape(B, M, qn, TOPK * kv_rs, hd)
    val_g = val_g.reshape(B, M, qn, TOPK * kv_rs, hd)
    attn = (qs * scale) @ jnp.swapaxes(key_g, -1, -2)
    attn = jax.nn.softmax(attn, axis=-1)
    out = attn @ val_g
    out = _seq2grid(out, rh, rw, rs)
    out = out + _dwconv(v, Wlepe, blepe)
    out = _conv1x1(out, Wout, bout)
    return out


def setup_inputs(seed: int = 0) -> dict:
    key = jax.random.key(seed)
    ks = jax.random.split(key, 4)
    x = jax.random.normal(ks[0], (4, DIM, 56, 56), dtype=jnp.float32)
    Wqkv = jax.random.normal(ks[1], (3 * DIM, DIM, 1, 1), dtype=jnp.float32) * 0.02
    bqkv = jnp.zeros((3 * DIM,), dtype=jnp.float32)
    Wlepe = jax.random.normal(ks[2], (DIM, 1, SIDE_DWCONV, SIDE_DWCONV), dtype=jnp.float32) * 0.02
    blepe = jnp.zeros((DIM,), dtype=jnp.float32)
    Wout = jax.random.normal(ks[3], (DIM, DIM, 1, 1), dtype=jnp.float32) * 0.02
    bout = jnp.zeros((DIM,), dtype=jnp.float32)
    return {'x': x, 'Wqkv': Wqkv, 'bqkv': bqkv, 'Wlepe': Wlepe, 'blepe': blepe, 'Wout': Wout, 'bout': bout}


def reference(x, Wqkv, bqkv, Wlepe, blepe, Wout, bout):
    return _forward(x, Wqkv, bqkv, Wlepe, blepe, Wout, bout)

if __name__ == "__main__":
    import jax
    _d = setup_inputs()
    print(jax.jit(kernel)(*tuple(_d.values())))

</pallas_src>

<mosaic_0001>
module attributes {stable_mosaic.version = 14 : i64} {
  func.func @_stage1(%arg0: i32, %arg1: i32, %arg2: memref<1x8x56x384xf32, #tpu.memory_space<vmem>>, %arg3: memref<384x1152xf32, #tpu.memory_space<vmem>>, %arg4: memref<1x1152xf32, #tpu.memory_space<vmem>>, %arg5: memref<1x8x56x1152xf32, #tpu.memory_space<vmem>>, %arg6: memref<1x1x7x384xf32, #tpu.memory_space<vmem>>, %arg7: memref<1x1x7x384xf32, #tpu.memory_space<vmem>>) attributes {dimension_semantics = [#tpu.dimension_semantics<arbitrary>, #tpu.dimension_semantics<arbitrary>], iteration_bounds = array<i64: 4, 7>, scalar_prefetch = 0 : i64, scratch_operands = 0 : i64, tpu.core_type = #tpu.core_type<tc>, window_params = [{transform_indices = @transform_0, window_bounds = array<i64: 1, 8, 56, 384>}, {pipeline_mode = #tpu.pipeline_mode<synchronous>, transform_indices = @transform_1, window_bounds = array<i64: 384, 1152>}, {pipeline_mode = #tpu.pipeline_mode<synchronous>, transform_indices = @transform_2, window_bounds = array<i64: 1, 1152>}, {transform_indices = @transform_3, window_bounds = array<i64: 1, 8, 56, 1152>}, {transform_indices = @transform_4, window_bounds = array<i64: 1, 1, 7, 384>}, {transform_indices = @transform_5, window_bounds = array<i64: 1, 1, 7, 384>}]} {
    %get3A = arith.constant 0 : index
    %get3A_0 = arith.constant 0 : index
    %get3A_1 = arith.constant 0 : index
    %get3A_2 = arith.constant 0 : index
    %get3A_3 = vector.load %arg2[%get3A, %get3A_0, %get3A_1, %get3A_2] : memref<1x8x56x384xf32, #tpu.memory_space<vmem>>, vector<1x8x56x384xf32>
    %get3A_4 = vector.shape_cast %get3A_3 : vector<1x8x56x384xf32> to vector<8x56x384xf32>
    %reshape3A = vector.shape_cast %get3A_4 : vector<8x56x384xf32> to vector<448x384xf32>
    %get3A_5 = arith.constant 0 : index
    %get3A_6 = arith.constant 0 : index
    %get3A_7 = vector.load %arg3[%get3A_5, %get3A_6] : memref<384x1152xf32, #tpu.memory_space<vmem>>, vector<384x1152xf32>
    %dot_general3A = arith.constant dense<0.000000e+00> : vector<448x1152xf32>
    %dot_general3A_8 = tpu.matmul %reshape3A, %get3A_7, %dot_general3A {dimension_numbers = #tpu.dot_dimension_numbers<[1], [0], [0], [1], [0, 0, 1, 1], [], []>, transpose_lhs_hint = false} : vector<448x384xf32>, vector<384x1152xf32>, vector<448x1152xf32> -> vector<448x1152xf32>
    %get3A_9 = arith.constant 0 : index
    %get3A_10 = arith.constant 0 : index
    %get3A_11 = vector.load %arg4[%get3A_9, %get3A_10] : memref<1x1152xf32, #tpu.memory_space<vmem>>, vector<1x1152xf32>
    %add3A = vector.broadcast %get3A_11 : vector<1x1152xf32> to vector<448x1152xf32>
    %add3A_12 = arith.addf %dot_general3A_8, %add3A : vector<448x1152xf32>
    %reshape3A_13 = vector.shape_cast %add3A_12 : vector<448x1152xf32> to vector<8x56x1152xf32>
    %swap3A = arith.constant 0 : index
    %swap3A_14 = arith.constant 0 : index
    %swap3A_15 = arith.constant 0 : index
    %swap3A_16 = arith.constant 0 : index
    %swap3A_17 = vector.load %arg5[%swap3A, %swap3A_14, %swap3A_15, %swap3A_16] : memref<1x8x56x1152xf32, #tpu.memory_space<vmem>>, vector<1x8x56x1152xf32>
    %swap3A_18 = vector.shape_cast %swap3A_17 : vector<1x8x56x1152xf32> to vector<8x56x1152xf32>
    %swap3A_19 = vector.shape_cast %reshape3A_13 : vector<8x56x1152xf32> to vector<1x8x56x1152xf32>
    tpu.vector_store %arg5[%swap3A, %swap3A_14, %swap3A_15, %swap3A_16], %swap3A_19 {strides = array<i32>} : memref<1x8x56x1152xf32, #tpu.memory_space<vmem>>, vector<1x8x56x1152xf32>,
    %reshape3A_20 = vector.shape_cast %add3A_12 : vector<448x1152xf32> to vector<8x7x8x1152xf32>
    %reduce_sum3A = arith.constant dense<0.000000e+00> : vector<7x1152xf32>
    %reduce_sum3A_21 = vector.multi_reduction <add>, %reshape3A_20, %reduce_sum3A [0, 2] : vector<8x7x8x1152xf32> to vector<7x1152xf32>
    %div3A = arith.constant 6.400000e+01 : f32
    %div3A_22 = vector.broadcast %div3A : f32 to vector<7x1152xf32>
    %div3A_23 = arith.divf %reduce_sum3A_21, %div3A_22 : vector<7x1152xf32>
    %slice3A = vector.extract_strided_slice %div3A_23 {offsets = [0, 0], sizes = [7, 384], strides = [1, 1]} : vector<7x1152xf32> to vector<7x384xf32>
    %swap3A_24 = arith.constant 0 : index
    %swap3A_25 = arith.constant 0 : index
    %swap3A_26 = arith.constant 0 : index
    %swap3A_27 = arith.constant 0 : index
    %swap3A_28 = vector.load %arg6[%swap3A_24, %swap3A_25, %swap3A_26, %swap3A_27] : memref<1x1x7x384xf32, #tpu.memory_space<vmem>>, vector<1x1x7x384xf32>
    %swap3A_29 = vector.shape_cast %swap3A_28 : vector<1x1x7x384xf32> to vector<7x384xf32>
    %swap3A_30 = vector.shape_cast %slice3A : vector<7x384xf32> to vector<1x1x7x384xf32>
    tpu.vector_store %arg6[%swap3A_24, %swap3A_25, %swap3A_26, %swap3A_27], %swap3A_30 {strides = array<i32>} : memref<1x1x7x384xf32, #tpu.memory_space<vmem>>, vector<1x1x7x384xf32>,
    %slice3A_31 = vector.extract_strided_slice %div3A_23 {offsets = [0, 384], sizes = [7, 384], strides = [1, 1]} : vector<7x1152xf32> to vector<7x384xf32>
    %swap3A_32 = arith.constant 0 : index
    %swap3A_33 = arith.constant 0 : index
    %swap3A_34 = arith.constant 0 : index
    %swap3A_35 = arith.constant 0 : index
    %swap3A_36 = vector.load %arg7[%swap3A_32, %swap3A_33, %swap3A_34, %swap3A_35] : memref<1x1x7x384xf32, #tpu.memory_space<vmem>>, vector<1x1x7x384xf32>
    %swap3A_37 = vector.shape_cast %swap3A_36 : vector<1x1x7x384xf32> to vector<7x384xf32>
    %swap3A_38 = vector.shape_cast %slice3A_31 : vector<7x384xf32> to vector<1x1x7x384xf32>
    tpu.vector_store %arg7[%swap3A_32, %swap3A_33, %swap3A_34, %swap3A_35], %swap3A_38 {strides = array<i32>} : memref<1x1x7x384xf32, #tpu.memory_space<vmem>>, vector<1x1x7x384xf32>,
    return
  }
  func.func @transform_0(%arg0: i32, %arg1: i32) -> (i32, i32, i32, i32) {
    %c0_i32 = arith.constant 0 : i32
    %c0_i32_0 = arith.constant 0 : i32
    %c0_i32_1 = arith.constant 0 : i32
    return %arg0, %arg1, %c0_i32, %c0_i32_0 : i32, i32, i32, i32
  }
  func.func @transform_1(%arg0: i32, %arg1: i32) -> (i32, i32) {
    %c0_i32 = arith.constant 0 : i32
    %c0_i32_0 = arith.constant 0 : i32
    %c0_i32_1 = arith.constant 0 : i32
    return %c0_i32, %c0_i32_0 : i32, i32
  }
  func.func @transform_2(%arg0: i32, %arg1: i32) -> (i32, i32) {
    %c0_i32 = arith.constant 0 : i32
    %c0_i32_0 = arith.constant 0 : i32
    %c0_i32_1 = arith.constant 0 : i32
    return %c0_i32, %c0_i32_0 : i32, i32
  }
  func.func @transform_3(%arg0: i32, %arg1: i32) -> (i32, i32, i32, i32) {
    %c0_i32 = arith.constant 0 : i32
    %c0_i32_0 = arith.constant 0 : i32
    %c0_i32_1 = arith.constant 0 : i32
    return %arg0, %arg1, %c0_i32, %c0_i32_0 : i32, i32, i32, i32
  }
  func.func @transform_4(%arg0: i32, %arg1: i32) -> (i32, i32, i32, i32) {
    %c0_i32 = arith.constant 0 : i32
    %c0_i32_0 = arith.constant 0 : i32
    %c0_i32_1 = arith.constant 0 : i32
    return %arg0, %arg1, %c0_i32, %c0_i32_0 : i32, i32, i32, i32
  }
  func.func @transform_5(%arg0: i32, %arg1: i32) -> (i32, i32, i32, i32) {
    %c0_i32 = arith.constant 0 : i32
    %c0_i32_0 = arith.constant 0 : i32
    %c0_i32_1 = arith.constant 0 : i32
    return %arg0, %arg1, %c0_i32, %c0_i32_0 : i32, i32, i32, i32
  }
}

module attributes {stable_mosaic.version = 14 : i64} {
  func.func @_route(%arg0: i32, %arg1: memref<1x7x7x384xf32, #tpu.memory_space<vmem>>, %arg2: memref<1x7x7x384xf32, #tpu.memory_space<vmem>>, %arg3: memref<1x49x128xi32, #tpu.memory_space<vmem>>) attributes {dimension_semantics = [#tpu.dimension_semantics<arbitrary>], iteration_bounds = array<i64: 4>, scalar_prefetch = 0 : i64, scratch_operands = 0 : i64, tpu.core_type = #tpu.core_type<tc>, window_params = [{transform_indices = @transform_0, window_bounds = array<i64: 1, 7, 7, 384>}, {transform_indices = @transform_1, window_bounds = array<i64: 1, 7, 7, 384>}, {transform_indices = @transform_2, window_bounds = array<i64: 1, 49, 128>}]} {
    %get3A = arith.constant 0 : index
    %get3A_0 = arith.constant 0 : index
    %get3A_1 = arith.constant 0 : index
    %get3A_2 = arith.constant 0 : index
    %get3A_3 = vector.load %arg1[%get3A, %get3A_0, %get3A_1, %get3A_2] : memref<1x7x7x384xf32, #tpu.memory_space<vmem>>, vector<1x7x7x384xf32>
    %get3A_4 = vector.shape_cast %get3A_3 : vector<1x7x7x384xf32> to vector<7x7x384xf32>
    %reshape3A = vector.shape_cast %get3A_4 : vector<7x7x384xf32> to vector<49x384xf32>
    %get3A_5 = arith.constant 0 : index
    %get3A_6 = arith.constant 0 : index
    %get3A_7 = arith.constant 0 : index
    %get3A_8 = arith.constant 0 : index
    %get3A_9 = vector.load %arg2[%get3A_5, %get3A_6, %get3A_7, %get3A_8] : memref<1x7x7x384xf32, #tpu.memory_space<vmem>>, vector<1x7x7x384xf32>
    %get3A_10 = vector.shape_cast %get3A_9 : vector<1x7x7x384xf32> to vector<7x7x384xf32>
    %reshape3A_11 = vector.shape_cast %get3A_10 : vector<7x7x384xf32> to vector<49x384xf32>
    %dot_general3A = arith.constant dense<0.000000e+00> : vector<49x49xf32>
    %dot_general3A_12 = tpu.matmul %reshape3A, %reshape3A_11, %dot_general3A {dimension_numbers = #tpu.dot_dimension_numbers<[1], [1], [0], [0], [0, 0, 1, 0], [], []>, transpose_lhs_hint = false} : vector<49x384xf32>, vector<49x384xf32>, vector<49x49xf32> -> vector<49x49xf32>
    %iota3A = tpu.iota {dimensions = array<i32: 1>} : vector<49x49xi32>
    %reduce_max3A = arith.constant dense<0xFF800000> : vector<49xf32>
    %reduce_max3A_13 = vector.multi_reduction <maximumf>, %dot_general3A_12, %reduce_max3A [1] : vector<49x49xf32> to vector<49xf32>
    %broadcast_in_dim3A = vector.shape_cast %reduce_max3A_13 : vector<49xf32> to vector<49x1xf32>
    %ge3A = vector.broadcast %broadcast_in_dim3A : vector<49x1xf32> to vector<49x49xf32>
    %ge3A_14 = arith.cmpf oge, %dot_general3A_12, %ge3A : vector<49x49xf32>
    %jit3A = arith.constant 49 : i32
    %broadcast_in_dim3A_15 = vector.broadcast %jit3A : i32 to vector<49x49xi32>
    %select_n3A = arith.select %ge3A_14, %iota3A, %broadcast_in_dim3A_15 : vector<49x49xi1>, vector<49x49xi32>
    %reduce_min3A = arith.constant dense<2147483647> : vector<49xi32>
    %reduce_min3A_16 = vector.multi_reduction <minsi>, %select_n3A, %reduce_min3A [1] : vector<49x49xi32> to vector<49xi32>
    %broadcast_in_dim3A_17 = vector.shape_cast %reduce_min3A_16 : vector<49xi32> to vector<49x1xi32>
    %eq3A = vector.broadcast %broadcast_in_dim3A_17 : vector<49x1xi32> to vector<49x49xi32>
    %eq3A_18 = arith.cmpi eq, %iota3A, %eq3A : vector<49x49xi32>
    %jit3A_19 = arith.constant 0xFF800000 : f32
    %broadcast_in_dim3A_20 = vector.broadcast %jit3A_19 : f32 to vector<49x49xf32>
    %select_n3A_21 = arith.select %eq3A_18, %broadcast_in_dim3A_20, %dot_general3A_12 : vector<49x49xi1>, vector<49x49xf32>
    %reduce_max3A_22 = arith.constant dense<0xFF800000> : vector<49xf32>
    %reduce_max3A_23 = vector.multi_reduction <maximumf>, %select_n3A_21, %reduce_max3A_22 [1] : vector<49x49xf32> to vector<49xf32>
    %broadcast_in_dim3A_24 = vector.shape_cast %reduce_max3A_23 : vector<49xf32> to vector<49x1xf32>
    %ge3A_25 = vector.broadcast %broadcast_in_dim3A_24 : vector<49x1xf32> to vector<49x49xf32>
    %ge3A_26 = arith.cmpf oge, %select_n3A_21, %ge3A_25 : vector<49x49xf32>
    %jit3A_27 = arith.constant 49 : i32
    %broadcast_in_dim3A_28 = vector.broadcast %jit3A_27 : i32 to vector<49x49xi32>
    %select_n3A_29 = arith.select %ge3A_26, %iota3A, %broadcast_in_dim3A_28 : vector<49x49xi1>, vector<49x49xi32>
    %reduce_min3A_30 = arith.constant dense<2147483647> : vector<49xi32>
    %reduce_min3A_31 = vector.multi_reduction <minsi>, %select_n3A_29, %reduce_min3A_30 [1] : vector<49x49xi32> to vector<49xi32>
    %broadcast_in_dim3A_32 = vector.shape_cast %reduce_min3A_31 : vector<49xi32> to vector<49x1xi32>
    %eq3A_33 = vector.broadcast %broadcast_in_dim3A_32 : vector<49x1xi32> to vector<49x49xi32>
    %eq3A_34 = arith.cmpi eq, %iota3A, %eq3A_33 : vector<49x49xi32>
    %jit3A_35 = arith.constant 0xFF800000 : f32
    %broadcast_in_dim3A_36 = vector.broadcast %jit3A_35 : f32 to vector<49x49xf32>
    %select_n3A_37 = arith.select %eq3A_34, %broadcast_in_dim3A_36, %select_n3A_21 : vector<49x49xi1>, vector<49x49xf32>
    %reduce_max3A_38 = arith.constant dense<0xFF800000> : vector<49xf32>
    %reduce_max3A_39 = vector.multi_reduction <maximumf>, %select_n3A_37, %reduce_max3A_38 [1] : vector<49x49xf32> to vector<49xf32>
    %broadcast_in_dim3A_40 = vector.shape_cast %reduce_max3A_39 : vector<49xf32> to vector<49x1xf32>
    %ge3A_41 = vector.broadcast %broadcast_in_dim3A_40 : vector<49x1xf32> to vector<49x49xf32>
    %ge3A_42 = arith.cmpf oge, %select_n3A_37, %ge3A_41 : vector<49x49xf32>
    %jit3A_43 = arith.constant 49 : i32
    %broadcast_in_dim3A_44 = vector.broadcast %jit3A_43 : i32 to vector<49x49xi32>
    %select_n3A_45 = arith.select %ge3A_42, %iota3A, %broadcast_in_dim3A_44 : vector<49x49xi1>, vector<49x49xi32>
    %reduce_min3A_46 = arith.constant dense<2147483647> : vector<49xi32>
    %reduce_min3A_47 = vector.multi_reduction <minsi>, %select_n3A_45, %reduce_min3A_46 [1] : vector<49x49xi32> to vector<49xi32>
    %broadcast_in_dim3A_48 = vector.shape_cast %reduce_min3A_47 : vector<49xi32> to vector<49x1xi32>
    %eq3A_49 = vector.broadcast %broadcast_in_dim3A_48 : vector<49x1xi32> to vector<49x49xi32>
    %eq3A_50 = arith.cmpi eq, %iota3A, %eq3A_49 : vector<49x49xi32>
    %jit3A_51 = arith.constant 0xFF800000 : f32
    %broadcast_in_dim3A_52 = vector.broadcast %jit3A_51 : f32 to vector<49x49xf32>
    %select_n3A_53 = arith.select %eq3A_50, %broadcast_in_dim3A_52, %select_n3A_37 : vector<49x49xi1>, vector<49x49xf32>
    %reduce_max3A_54 = arith.constant dense<0xFF800000> : vector<49xf32>
    %reduce_max3A_55 = vector.multi_reduction <maximumf>, %select_n3A_53, %reduce_max3A_54 [1] : vector<49x49xf32> to vector<49xf32>
    %broadcast_in_dim3A_56 = vector.shape_cast %reduce_max3A_55 : vector<49xf32> to vector<49x1xf32>
    %ge3A_57 = vector.broadcast %broadcast_in_dim3A_56 : vector<49x1xf32> to vector<49x49xf32>
    %ge3A_58 = arith.cmpf oge, %select_n3A_53, %ge3A_57 : vector<49x49xf32>
    %jit3A_59 = arith.constant 49 : i32
    %broadcast_in_dim3A_60 = vector.broadcast %jit3A_59 : i32 to vector<49x49xi32>
    %select_n3A_61 = arith.select %ge3A_58, %iota3A, %broadcast_in_dim3A_60 : vector<49x49xi1>, vector<49x49xi32>
    %reduce_min3A_62 = arith.constant dense<2147483647> : vector<49xi32>
    %reduce_min3A_63 = vector.multi_reduction <minsi>, %select_n3A_61, %reduce_min3A_62 [1] : vector<49x49xi32> to vector<49xi32>
    %broadcast_in_dim3A_64 = vector.shape_cast %reduce_min3A_63 : vector<49xi32> to vector<49x1xi32>
    %concatenate3A = tpu.concatenate %broadcast_in_dim3A_17, %broadcast_in_dim3A_32, %broadcast_in_dim3A_48, %broadcast_in_dim3A_64 in 1 : vector<49x1xi32>, vector<49x1xi32>, vector<49x1xi32>, vector<49x1xi32> -> vector<49x4xi32>
    %broadcast_in_dim3A_65 = arith.constant 0 : i32
    %broadcast_in_dim3A_66 = vector.broadcast %broadcast_in_dim3A_65 : i32 to vector<49x124xi32>
    %concatenate3A_67 = tpu.concatenate %concatenate3A, %broadcast_in_dim3A_66 in 1 : vector<49x4xi32>, vector<49x124xi32> -> vector<49x128xi32>
    %swap3A = arith.constant 0 : index
    %swap3A_68 = arith.constant 0 : index
    %swap3A_69 = arith.constant 0 : index
    %swap3A_70 = vector.load %arg3[%swap3A, %swap3A_68, %swap3A_69] : memref<1x49x128xi32, #tpu.memory_space<vmem>>, vector<1x49x128xi32>
    %swap3A_71 = vector.shape_cast %swap3A_70 : vector<1x49x128xi32> to vector<49x128xi32>
    %swap3A_72 = vector.shape_cast %concatenate3A_67 : vector<49x128xi32> to vector<1x49x128xi32>
    tpu.vector_store %arg3[%swap3A, %swap3A_68, %swap3A_69], %swap3A_72 {strides = array<i32>} : memref<1x49x128xi32, #tpu.memory_space<vmem>>, vector<1x49x128xi32>,
    return
  }
  func.func @transform_0(%arg0: i32) -> (i32, i32, i32, i32) {
    %c0_i32 = arith.constant 0 : i32
    %c0_i32_0 = arith.constant 0 : i32
    %c0_i32_1 = arith.constant 0 : i32
    %c0_i32_2 = arith.constant 0 : i32
    return %arg0, %c0_i32, %c0_i32_0, %c0_i32_1 : i32, i32, i32, i32
  }
  func.func @transform_1(%arg0: i32) -> (i32, i32, i32, i32) {
    %c0_i32 = arith.constant 0 : i32
    %c0_i32_0 = arith.constant 0 : i32
    %c0_i32_1 = arith.constant 0 : i32
    %c0_i32_2 = arith.constant 0 : i32
    return %arg0, %c0_i32, %c0_i32_0, %c0_i32_1 : i32, i32, i32, i32
  }
  func.func @transform_2(%arg0: i32) -> (i32, i32, i32) {
    %c0_i32 = arith.constant 0 : i32
    %c0_i32_0 = arith.constant 0 : i32
    %c0_i32_1 = arith.constant 0 : i32
    return %arg0, %c0_i32, %c0_i32_0 : i32, i32, i32
  }
}

module attributes {stable_mosaic.version = 14 : i64} {
  func.func @_attn(%arg0: i32, %arg1: i32, %arg2: memref<4x49x4xi32, #tpu.memory_space<smem>>, %arg3: memref<1x1x384x64xf32, #tpu.memory_space<vmem>>, %arg4: memref<1x1x384x64xf32, #tpu.memory_space<vmem>>, %arg5: memref<1x1x384x64xf32, #tpu.memory_space<vmem>>, %arg6: memref<1x1x384x64xf32, #tpu.memory_space<vmem>>, %arg7: memref<1x1x384x64xf32, #tpu.memory_space<vmem>>, %arg8: memref<1x1x384x64xf32, #tpu.memory_space<vmem>>, %arg9: memref<1x1x384x64xf32, #tpu.memory_space<vmem>>, %arg10: memref<1x1x384x64xf32, #tpu.memory_space<vmem>>, %arg11: memref<1x1x384x64xf32, #tpu.memory_space<vmem>>, %arg12: memref<1x1x384x64xf32, #tpu.memory_space<vmem>>) attributes {dimension_semantics = [#tpu.dimension_semantics<arbitrary>, #tpu.dimension_semantics<arbitrary>], iteration_bounds = array<i64: 4, 49>, scalar_prefetch = 1 : i64, scratch_operands = 0 : i64, tpu.core_type = #tpu.core_type<tc>, window_params = [{transform_indices = @transform_0, window_bounds = array<i64: 1, 1, 384, 64>}, {transform_indices = @transform_1, window_bounds = array<i64: 1, 1, 384, 64>}, {transform_indices = @transform_2, window_bounds = array<i64: 1, 1, 384, 64>}, {transform_indices = @transform_3, window_bounds = array<i64: 1, 1, 384, 64>}, {transform_indices = @transform_4, window_bounds = array<i64: 1, 1, 384, 64>}, {transform_indices = @transform_5, window_bounds = array<i64: 1, 1, 384, 64>}, {transform_indices = @transform_6, window_bounds = array<i64: 1, 1, 384, 64>}, {transform_indices = @transform_7, window_bounds = array<i64: 1, 1, 384, 64>}, {transform_indices = @transform_8, window_bounds = array<i64: 1, 1, 384, 64>}, {transform_indices = @transform_9, window_bounds = array<i64: 1, 1, 384, 64>}]} {
    %get3A = arith.constant 0 : index
    %get3A_0 = arith.constant 0 : index
    %get3A_1 = arith.constant 0 : index
    %get3A_2 = arith.constant 0 : index
    %get3A_3 = vector.load %arg3[%get3A, %get3A_0, %get3A_1, %get3A_2] : memref<1x1x384x64xf32, #tpu.memory_space<vmem>>, vector<1x1x384x64xf32>
    %get3A_4 = vector.shape_cast %get3A_3 : vector<1x1x384x64xf32> to vector<384x64xf32>
    %mul3A = arith.constant 0.0510310382 : f32
    %mul3A_5 = vector.broadcast %mul3A : f32 to vector<384x64xf32>
    %mul3A_6 = arith.mulf %get3A_4, %mul3A_5 : vector<384x64xf32>
    %get3A_7 = arith.constant 0 : index
    %get3A_8 = arith.constant 0 : index
    %get3A_9 = arith.constant 0 : index
    %get3A_10 = arith.constant 0 : index
    %get3A_11 = vector.load %arg4[%get3A_7, %get3A_8, %get3A_9, %get3A_10] : memref<1x1x384x64xf32, #tpu.memory_space<vmem>>, vector<1x1x384x64xf32>
    %get3A_12 = vector.shape_cast %get3A_11 : vector<1x1x384x64xf32> to vector<384x64xf32>
    %get3A_13 = arith.constant 0 : index
    %get3A_14 = arith.constant 0 : index
    %get3A_15 = arith.constant 0 : index
    %get3A_16 = arith.constant 0 : index
    %get3A_17 = vector.load %arg5[%get3A_13, %get3A_14, %get3A_15, %get3A_16] : memref<1x1x384x64xf32, #tpu.memory_space<vmem>>, vector<1x1x384x64xf32>
    %get3A_18 = vector.shape_cast %get3A_17 : vector<1x1x384x64xf32> to vector<384x64xf32>
    %get3A_19 = arith.constant 0 : index
    %get3A_20 = arith.constant 0 : index
    %get3A_21 = arith.constant 0 : index
    %get3A_22 = arith.constant 0 : index
    %get3A_23 = vector.load %arg6[%get3A_19, %get3A_20, %get3A_21, %get3A_22] : memref<1x1x384x64xf32, #tpu.memory_space<vmem>>, vector<1x1x384x64xf32>
    %get3A_24 = vector.shape_cast %get3A_23 : vector<1x1x384x64xf32> to vector<384x64xf32>
    %get3A_25 = arith.constant 0 : index
    %get3A_26 = arith.constant 0 : index
    %get3A_27 = arith.constant 0 : index
    %get3A_28 = arith.constant 0 : index
    %get3A_29 = vector.load %arg7[%get3A_25, %get3A_26, %get3A_27, %get3A_28] : memref<1x1x384x64xf32, #tpu.memory_space<vmem>>, vector<1x1x384x64xf32>
    %get3A_30 = vector.shape_cast %get3A_29 : vector<1x1x384x64xf32> to vector<384x64xf32>
    %concatenate3A = tpu.concatenate %get3A_12, %get3A_18, %get3A_24, %get3A_30 in 1 : vector<384x64xf32>, vector<384x64xf32>, vector<384x64xf32>, vector<384x64xf32> -> vector<384x256xf32>
    %get3A_31 = arith.constant 0 : index
    %get3A_32 = arith.constant 0 : index
    %get3A_33 = arith.constant 0 : index
    %get3A_34 = arith.constant 0 : index
    %get3A_35 = vector.load %arg8[%get3A_31, %get3A_32, %get3A_33, %get3A_34] : memref<1x1x384x64xf32, #tpu.memory_space<vmem>>, vector<1x1x384x64xf32>
    %get3A_36 = vector.shape_cast %get3A_35 : vector<1x1x384x64xf32> to vector<384x64xf32>
    %get3A_37 = arith.constant 0 : index
    %get3A_38 = arith.constant 0 : index
    %get3A_39 = arith.constant 0 : index
    %get3A_40 = arith.constant 0 : index
    %get3A_41 = vector.load %arg9[%get3A_37, %get3A_38, %get3A_39, %get3A_40] : memref<1x1x384x64xf32, #tpu.memory_space<vmem>>, vector<1x1x384x64xf32>
    %get3A_42 = vector.shape_cast %get3A_41 : vector<1x1x384x64xf32> to vector<384x64xf32>
    %get3A_43 = arith.constant 0 : index
    %get3A_44 = arith.constant 0 : index
    %get3A_45 = arith.constant 0 : index
    %get3A_46 = arith.constant 0 : index
    %get3A_47 = vector.load %arg10[%get3A_43, %get3A_44, %get3A_45, %get3A_46] : memref<1x1x384x64xf32, #tpu.memory_space<vmem>>, vector<1x1x384x64xf32>
    %get3A_48 = vector.shape_cast %get3A_47 : vector<1x1x384x64xf32> to vector<384x64xf32>
    %get3A_49 = arith.constant 0 : index
    %get3A_50 = arith.constant 0 : index
    %get3A_51 = arith.constant 0 : index
    %get3A_52 = arith.constant 0 : index
    %get3A_53 = vector.load %arg11[%get3A_49, %get3A_50, %get3A_51, %get3A_52] : memref<1x1x384x64xf32, #tpu.memory_space<vmem>>, vector<1x1x384x64xf32>
    %get3A_54 = vector.shape_cast %get3A_53 : vector<1x1x384x64xf32> to vector<384x64xf32>
    %concatenate3A_55 = tpu.concatenate %get3A_36, %get3A_42, %get3A_48, %get3A_54 in 1 : vector<384x64xf32>, vector<384x64xf32>, vector<384x64xf32>, vector<384x64xf32> -> vector<384x256xf32>
    %reshape3A = vector.shape_cast %mul3A_6 : vector<384x64xf32> to vector<12x32x64xf32>
    %reshape3A_56 = vector.shape_cast %concatenate3A : vector<384x256xf32> to vector<12x32x256xf32>
    %reshape3A_57 = vector.shape_cast %concatenate3A_55 : vector<384x256xf32> to vector<12x32x256xf32>
    %dot_general3A = arith.constant dense<0.000000e+00> : vector<12x64x256xf32>
    %dot_general3A_58 = tpu.matmul %reshape3A, %reshape3A_56, %dot_general3A {dimension_numbers = #tpu.dot_dimension_numbers<[1], [1], [2], [2], [0, 0, 0, 2, 1, 2], [0], [0]>, transpose_lhs_hint = false} : vector<12x32x64xf32>, vector<12x32x256xf32>, vector<12x64x256xf32> -> vector<12x64x256xf32>
    %reduce_max3A = arith.constant dense<0xFF800000> : vector<12x64xf32>
    %reduce_max3A_59 = vector.multi_reduction <maximumf>, %dot_general3A_58, %reduce_max3A [2] : vector<12x64x256xf32> to vector<12x64xf32>
    %broadcast_in_dim3A = vector.shape_cast %reduce_max3A_59 : vector<12x64xf32> to vector<12x64x1xf32>
    %sub3A = vector.broadcast %broadcast_in_dim3A : vector<12x64x1xf32> to vector<12x64x256xf32>
    %sub3A_60 = arith.subf %dot_general3A_58, %sub3A : vector<12x64x256xf32>
    %exp3A = math.exp %sub3A_60 : vector<12x64x256xf32>
    %reduce_sum3A = arith.constant dense<0.000000e+00> : vector<12x64xf32>
    %reduce_sum3A_61 = vector.multi_reduction <add>, %exp3A, %reduce_sum3A [2] : vector<12x64x256xf32> to vector<12x64xf32>
    %broadcast_in_dim3A_62 = vector.shape_cast %reduce_sum3A_61 : vector<12x64xf32> to vector<12x64x1xf32>
    %div3A = vector.broadcast %broadcast_in_dim3A_62 : vector<12x64x1xf32> to vector<12x64x256xf32>
    %div3A_63 = arith.divf %exp3A, %div3A : vector<12x64x256xf32>
    %dot_general3A_64 = arith.constant dense<0.000000e+00> : vector<12x32x64xf32>
    %dot_general3A_65 = tpu.matmul %reshape3A_57, %div3A_63, %dot_general3A_64 {dimension_numbers = #tpu.dot_dimension_numbers<[2], [2], [1], [1], [0, 0, 0, 1, 1, 1], [0], [0]>, transpose_lhs_hint = false} : vector<12x32x256xf32>, vector<12x64x256xf32>, vector<12x32x64xf32> -> vector<12x32x64xf32>
    %reshape3A_66 = vector.shape_cast %dot_general3A_65 : vector<12x32x64xf32> to vector<384x64xf32>
    %swap3A = arith.constant 0 : index
    %swap3A_67 = arith.constant 0 : index
    %swap3A_68 = arith.constant 0 : index
    %swap3A_69 = arith.constant 0 : index
    %swap3A_70 = vector.load %arg12[%swap3A, %swap3A_67, %swap3A_68, %swap3A_69] : memref<1x1x384x64xf32, #tpu.memory_space<vmem>>, vector<1x1x384x64xf32>
    %swap3A_71 = vector.shape_cast %swap3A_70 : vector<1x1x384x64xf32> to vector<384x64xf32>
    %swap3A_72 = vector.shape_cast %reshape3A_66 : vector<384x64xf32> to vector<1x1x384x64xf32>
    tpu.vector_store %arg12[%swap3A, %swap3A_67, %swap3A_68, %swap3A_69], %swap3A_72 {strides = array<i32>} : memref<1x1x384x64xf32, #tpu.memory_space<vmem>>, vector<1x1x384x64xf32>,
    return
  }
  func.func @transform_0(%arg0: i32, %arg1: i32, %arg2: memref<4x49x4xi32, #tpu.memory_space<smem>>) -> (i32, i32, i32, i32) {
    %c0_i32 = arith.constant 0 : i32
    %c0_i32_0 = arith.constant 0 : i32
    %c0_i32_1 = arith.constant 0 : i32
    return %arg0, %arg1, %c0_i32, %c0_i32_0 : i32, i32, i32, i32
  }
  func.func @transform_1(%arg0: i32, %arg1: i32, %arg2: memref<4x49x4xi32, #tpu.memory_space<smem>>) -> (i32, i32, i32, i32) {
    %get3A = arith.index_cast %arg0 : i32 to index
    %get3A_0 = arith.index_cast %arg1 : i32 to index
    %get3A_1 = arith.constant 0 : index
    %get3A_2 = memref.load %arg2[%get3A, %get3A_0, %get3A_1] : memref<4x49x4xi32, #tpu.memory_space<smem>>
    %c1_i32 = arith.constant 1 : i32
    %c0_i32 = arith.constant 0 : i32
    %c0_i32_3 = arith.constant 0 : i32
    return %arg0, %get3A_2, %c1_i32, %c0_i32 : i32, i32, i32, i32
  }
  func.func @transform_2(%arg0: i32, %arg1: i32, %arg2: memref<4x49x4xi32, #tpu.memory_space<smem>>) -> (i32, i32, i32, i32) {
    %get3A = arith.index_cast %arg0 : i32 to index
    %get3A_0 = arith.index_cast %arg1 : i32 to index
    %get3A_1 = arith.constant 1 : index
    %get3A_2 = memref.load %arg2[%get3A, %get3A_0, %get3A_1] : memref<4x49x4xi32, #tpu.memory_space<smem>>
    %c1_i32 = arith.constant 1 : i32
    %c0_i32 = arith.constant 0 : i32
    %c0_i32_3 = arith.constant 0 : i32
    return %arg0, %get3A_2, %c1_i32, %c0_i32 : i32, i32, i32, i32
  }
  func.func @transform_3(%arg0: i32, %arg1: i32, %arg2: memref<4x49x4xi32, #tpu.memory_space<smem>>) -> (i32, i32, i32, i32) {
    %get3A = arith.index_cast %arg0 : i32 to index
    %get3A_0 = arith.index_cast %arg1 : i32 to index
    %get3A_1 = arith.constant 2 : index
    %get3A_2 = memref.load %arg2[%get3A, %get3A_0, %get3A_1] : memref<4x49x4xi32, #tpu.memory_space<smem>>
    %c1_i32 = arith.constant 1 : i32
    %c0_i32 = arith.constant 0 : i32
    %c0_i32_3 = arith.constant 0 : i32
    return %arg0, %get3A_2, %c1_i32, %c0_i32 : i32, i32, i32, i32
  }
  func.func @transform_4(%arg0: i32, %arg1: i32, %arg2: memref<4x49x4xi32, #tpu.memory_space<smem>>) -> (i32, i32, i32, i32) {
    %get3A = arith.index_cast %arg0 : i32 to index
    %get3A_0 = arith.index_cast %arg1 : i32 to index
    %get3A_1 = arith.constant 3 : index
    %get3A_2 = memref.load %arg2[%get3A, %get3A_0, %get3A_1] : memref<4x49x4xi32, #tpu.memory_space<smem>>
    %c1_i32 = arith.constant 1 : i32
    %c0_i32 = arith.constant 0 : i32
    %c0_i32_3 = arith.constant 0 : i32
    return %arg0, %get3A_2, %c1_i32, %c0_i32 : i32, i32, i32, i32
  }
  func.func @transform_5(%arg0: i32, %arg1: i32, %arg2: memref<4x49x4xi32, #tpu.memory_space<smem>>) -> (i32, i32, i32, i32) {
    %get3A = arith.index_cast %arg0 : i32 to index
    %get3A_0 = arith.index_cast %arg1 : i32 to index
    %get3A_1 = arith.constant 0 : index
    %get3A_2 = memref.load %arg2[%get3A, %get3A_0, %get3A_1] : memref<4x49x4xi32, #tpu.memory_space<smem>>
    %c2_i32 = arith.constant 2 : i32
    %c0_i32 = arith.constant 0 : i32
    %c0_i32_3 = arith.constant 0 : i32
    return %arg0, %get3A_2, %c2_i32, %c0_i32 : i32, i32, i32, i32
  }
  func.func @transform_6(%arg0: i32, %arg1: i32, %arg2: memref<4x49x4xi32, #tpu.memory_space<smem>>) -> (i32, i32, i32, i32) {
    %get3A = arith.index_cast %arg0 : i32 to index
    %get3A_0 = arith.index_cast %arg1 : i32 to index
    %get3A_1 = arith.constant 1 : index
    %get3A_2 = memref.load %arg2[%get3A, %get3A_0, %get3A_1] : memref<4x49x4xi32, #tpu.memory_space<smem>>
    %c2_i32 = arith.constant 2 : i32
    %c0_i32 = arith.constant 0 : i32
    %c0_i32_3 = arith.constant 0 : i32
    return %arg0, %get3A_2, %c2_i32, %c0_i32 : i32, i32, i32, i32
  }
  func.func @transform_7(%arg0: i32, %arg1: i32, %arg2: memref<4x49x4xi32, #tpu.memory_space<smem>>) -> (i32, i32, i32, i32) {
    %get3A = arith.index_cast %arg0 : i32 to index
    %get3A_0 = arith.index_cast %arg1 : i32 to index
    %get3A_1 = arith.constant 2 : index
    %get3A_2 = memref.load %arg2[%get3A, %get3A_0, %get3A_1] : memref<4x49x4xi32, #tpu.memory_space<smem>>
    %c2_i32 = arith.constant 2 : i32
    %c0_i32 = arith.constant 0 : i32
    %c0_i32_3 = arith.constant 0 : i32
    return %arg0, %get3A_2, %c2_i32, %c0_i32 : i32, i32, i32, i32
  }
  func.func @transform_8(%arg0: i32, %arg1: i32, %arg2: memref<4x49x4xi32, #tpu.memory_space<smem>>) -> (i32, i32, i32, i32) {
    %get3A = arith.index_cast %arg0 : i32 to index
    %get3A_0 = arith.index_cast %arg1 : i32 to index
    %get3A_1 = arith.constant 3 : index
    %get3A_2 = memref.load %arg2[%get3A, %get3A_0, %get3A_1] : memref<4x49x4xi32, #tpu.memory_space<smem>>
    %c2_i32 = arith.constant 2 : i32
    %c0_i32 = arith.constant 0 : i32
    %c0_i32_3 = arith.constant 0 : i32
    return %arg0, %get3A_2, %c2_i32, %c0_i32 : i32, i32, i32, i32
  }
  func.func @transform_9(%arg0: i32, %arg1: i32, %arg2: memref<4x49x4xi32, #tpu.memory_space<smem>>) -> (i32, i32, i32, i32) {
    %c0_i32 = arith.constant 0 : i32
    %c0_i32_0 = arith.constant 0 : i32
    %c0_i32_1 = arith.constant 0 : i32
    return %arg0, %arg1, %c0_i32, %c0_i32_0 : i32, i32, i32, i32
  }
}

module attributes {stable_mosaic.version = 14 : i64} {
  func.func @_stage4(%arg0: i32, %arg1: i32, %arg2: memref<1x8x56x384xf32, #tpu.memory_space<vmem>>, %arg3: memref<1x60x60x384xf32, #tpu.memory_space<vmem>>, %arg4: memref<1x25x384xf32, #tpu.memory_space<vmem>>, %arg5: memref<384x384xf32, #tpu.memory_space<vmem>>, %arg6: memref<1x384xf32, #tpu.memory_space<vmem>>, %arg7: memref<1x8x56x384xf32, #tpu.memory_space<vmem>>) attributes {dimension_semantics = [#tpu.dimension_semantics<arbitrary>, #tpu.dimension_semantics<arbitrary>], iteration_bounds = array<i64: 4, 7>, scalar_prefetch = 0 : i64, scratch_operands = 0 : i64, tpu.core_type = #tpu.core_type<tc>, window_params = [{transform_indices = @transform_0, window_bounds = array<i64: 1, 8, 56, 384>}, {transform_indices = @transform_1, window_bounds = array<i64: 1, 60, 60, 384>}, {pipeline_mode = #tpu.pipeline_mode<synchronous>, transform_indices = @transform_2, window_bounds = array<i64: 1, 25, 384>}, {pipeline_mode = #tpu.pipeline_mode<synchronous>, transform_indices = @transform_3, window_bounds = array<i64: 384, 384>}, {pipeline_mode = #tpu.pipeline_mode<synchronous>, transform_indices = @transform_4, window_bounds = array<i64: 1, 384>}, {transform_indices = @transform_5, window_bounds = array<i64: 1, 8, 56, 384>}]} {
    %get3A = arith.constant 0 : index
    %get3A_0 = arith.constant 0 : index
    %get3A_1 = arith.constant 0 : index
    %get3A_2 = arith.constant 0 : index
    %get3A_3 = vector.load %arg2[%get3A, %get3A_0, %get3A_1, %get3A_2] : memref<1x8x56x384xf32, #tpu.memory_space<vmem>>, vector<1x8x56x384xf32>
    %get3A_4 = vector.shape_cast %get3A_3 : vector<1x8x56x384xf32> to vector<8x56x384xf32>
    %mul3A = arith.constant 8 : i32
    %mul3A_5 = arith.muli %arg1, %mul3A : i32
    %get3A_6 = arith.constant 0 : index
    %get3A_7 = arith.index_cast %mul3A_5 : i32 to index
    %get3A_8 = arith.constant 0 : index
    %get3A_9 = arith.constant 0 : index
    %get3A_10 = vector.load %arg3[%get3A_6, %get3A_7, %get3A_8, %get3A_9] : memref<1x60x60x384xf32, #tpu.memory_space<vmem>>, vector<1x12x60x384xf32>
    %get3A_11 = vector.shape_cast %get3A_10 : vector<1x12x60x384xf32> to vector<12x60x384xf32>
    %get3A_12 = arith.constant 0 : index
    %get3A_13 = arith.constant 0 : index
    %get3A_14 = arith.constant 0 : index
    %get3A_15 = vector.load %arg4[%get3A_12, %get3A_13, %get3A_14] : memref<1x25x384xf32, #tpu.memory_space<vmem>>, vector<1x1x384xf32>
    %get3A_16 = vector.shape_cast %get3A_15 : vector<1x1x384xf32> to vector<384xf32>
    %broadcast_in_dim3A = vector.shape_cast %get3A_16 : vector<384xf32> to vector<1x1x384xf32>
    %slice3A = vector.extract_strided_slice %get3A_11 {offsets = [0, 0, 0], sizes = [8, 56, 384], strides = [1, 1, 1]} : vector<12x60x384xf32> to vector<8x56x384xf32>
    %mul3A_17 = vector.broadcast %broadcast_in_dim3A : vector<1x1x384xf32> to vector<8x56x384xf32>
    %mul3A_18 = arith.mulf %mul3A_17, %slice3A : vector<8x56x384xf32>
    %add3A = arith.addf %get3A_4, %mul3A_18 : vector<8x56x384xf32>
    %get3A_19 = arith.constant 0 : index
    %get3A_20 = arith.constant 1 : index
    %get3A_21 = arith.constant 0 : index
    %get3A_22 = vector.load %arg4[%get3A_19, %get3A_20, %get3A_21] : memref<1x25x384xf32, #tpu.memory_space<vmem>>, vector<1x1x384xf32>
    %get3A_23 = vector.shape_cast %get3A_22 : vector<1x1x384xf32> to vector<384xf32>
    %broadcast_in_dim3A_24 = vector.shape_cast %get3A_23 : vector<384xf32> to vector<1x1x384xf32>
    %slice3A_25 = vector.extract_strided_slice %get3A_11 {offsets = [0, 1, 0], sizes = [8, 56, 384], strides = [1, 1, 1]} : vector<12x60x384xf32> to vector<8x56x384xf32>
    %mul3A_26 = vector.broadcast %broadcast_in_dim3A_24 : vector<1x1x384xf32> to vector<8x56x384xf32>
    %mul3A_27 = arith.mulf %mul3A_26, %slice3A_25 : vector<8x56x384xf32>
    %add3A_28 = arith.addf %add3A, %mul3A_27 : vector<8x56x384xf32>
    %get3A_29 = arith.constant 0 : index
    %get3A_30 = arith.constant 2 : index
    %get3A_31 = arith.constant 0 : index
    %get3A_32 = vector.load %arg4[%get3A_29, %get3A_30, %get3A_31] : memref<1x25x384xf32, #tpu.memory_space<vmem>>, vector<1x1x384xf32>
    %get3A_33 = vector.shape_cast %get3A_32 : vector<1x1x384xf32> to vector<384xf32>
    %broadcast_in_dim3A_34 = vector.shape_cast %get3A_33 : vector<384xf32> to vector<1x1x384xf32>
    %slice3A_35 = vector.extract_strided_slice %get3A_11 {offsets = [0, 2, 0], sizes = [8, 56, 384], strides = [1, 1, 1]} : vector<12x60x384xf32> to vector<8x56x384xf32>
    %mul3A_36 = vector.broadcast %broadcast_in_dim3A_34 : vector<1x1x384xf32> to vector<8x56x384xf32>
    %mul3A_37 = arith.mulf %mul3A_36, %slice3A_35 : vector<8x56x384xf32>
    %add3A_38 = arith.addf %add3A_28, %mul3A_37 : vector<8x56x384xf32>
    %get3A_39 = arith.constant 0 : index
    %get3A_40 = arith.constant 3 : index
    %get3A_41 = arith.constant 0 : index
    %get3A_42 = vector.load %arg4[%get3A_39, %get3A_40, %get3A_41] : memref<1x25x384xf32, #tpu.memory_space<vmem>>, vector<1x1x384xf32>
    %get3A_43 = vector.shape_cast %get3A_42 : vector<1x1x384xf32> to vector<384xf32>
    %broadcast_in_dim3A_44 = vector.shape_cast %get3A_43 : vector<384xf32> to vector<1x1x384xf32>
    %slice3A_45 = vector.extract_strided_slice %get3A_11 {offsets = [0, 3, 0], sizes = [8, 56, 384], strides = [1, 1, 1]} : vector<12x60x384xf32> to vector<8x56x384xf32>
    %mul3A_46 = vector.broadcast %broadcast_in_dim3A_44 : vector<1x1x384xf32> to vector<8x56x384xf32>
    %mul3A_47 = arith.mulf %mul3A_46, %slice3A_45 : vector<8x56x384xf32>
    %add3A_48 = arith.addf %add3A_38, %mul3A_47 : vector<8x56x384xf32>
    %get3A_49 = arith.constant 0 : index
    %get3A_50 = arith.constant 4 : index
    %get3A_51 = arith.constant 0 : index
    %get3A_52 = vector.load %arg4[%get3A_49, %get3A_50, %get3A_51] : memref<1x25x384xf32, #tpu.memory_space<vmem>>, vector<1x1x384xf32>
    %get3A_53 = vector.shape_cast %get3A_52 : vector<1x1x384xf32> to vector<384xf32>
    %broadcast_in_dim3A_54 = vector.shape_cast %get3A_53 : vector<384xf32> to vector<1x1x384xf32>
    %slice3A_55 = vector.extract_strided_slice %get3A_11 {offsets = [0, 4, 0], sizes = [8, 56, 384], strides = [1, 1, 1]} : vector<12x60x384xf32> to vector<8x56x384xf32>
    %mul3A_56 = vector.broadcast %broadcast_in_dim3A_54 : vector<1x1x384xf32> to vector<8x56x384xf32>
    %mul3A_57 = arith.mulf %mul3A_56, %slice3A_55 : vector<8x56x384xf32>
    %add3A_58 = arith.addf %add3A_48, %mul3A_57 : vector<8x56x384xf32>
    %get3A_59 = arith.constant 0 : index
    %get3A_60 = arith.constant 5 : index
    %get3A_61 = arith.constant 0 : index
    %get3A_62 = vector.load %arg4[%get3A_59, %get3A_60, %get3A_61] : memref<1x25x384xf32, #tpu.memory_space<vmem>>, vector<1x1x384xf32>
    %get3A_63 = vector.shape_cast %get3A_62 : vector<1x1x384xf32> to vector<384xf32>
    %broadcast_in_dim3A_64 = vector.shape_cast %get3A_63 : vector<384xf32> to vector<1x1x384xf32>
    %slice3A_65 = vector.extract_strided_slice %get3A_11 {offsets = [1, 0, 0], sizes = [8, 56, 384], strides = [1, 1, 1]} : vector<12x60x384xf32> to vector<8x56x384xf32>
    %mul3A_66 = vector.broadcast %broadcast_in_dim3A_64 : vector<1x1x384xf32> to vector<8x56x384xf32>
    %mul3A_67 = arith.mulf %mul3A_66, %slice3A_65 : vector<8x56x384xf32>
    %add3A_68 = arith.addf %add3A_58, %mul3A_67 : vector<8x56x384xf32>
    %get3A_69 = arith.constant 0 : index
    %get3A_70 = arith.constant 6 : index
    %get3A_71 = arith.constant 0 : index
    %get3A_72 = vector.load %arg4[%get3A_69, %get3A_70, %get3A_71] : memref<1x25x384xf32, #tpu.memory_space<vmem>>, vector<1x1x384xf32>
    %get3A_73 = vector.shape_cast %get3A_72 : vector<1x1x384xf32> to vector<384xf32>
    %broadcast_in_dim3A_74 = vector.shape_cast %get3A_73 : vector<384xf32> to vector<1x1x384xf32>
    %slice3A_75 = vector.extract_strided_slice %get3A_11 {offsets = [1, 1, 0], sizes = [8, 56, 384], strides = [1, 1, 1]} : vector<12x60x384xf32> to vector<8x56x384xf32>
    %mul3A_76 = vector.broadcast %broadcast_in_dim3A_74 : vector<1x1x384xf32> to vector<8x56x384xf32>
    %mul3A_77 = arith.mulf %mul3A_76, %slice3A_75 : vector<8x56x384xf32>
    %add3A_78 = arith.addf %add3A_68, %mul3A_77 : vector<8x56x384xf32>
    %get3A_79 = arith.constant 0 : index
    %get3A_80 = arith.constant 7 : index
    %get3A_81 = arith.constant 0 : index
    %get3A_82 = vector.load %arg4[%get3A_79, %get3A_80, %get3A_81] : memref<1x25x384xf32, #tpu.memory_space<vmem>>, vector<1x1x384xf32>
    %get3A_83 = vector.shape_cast %get3A_82 : vector<1x1x384xf32> to vector<384xf32>
    %broadcast_in_dim3A_84 = vector.shape_cast %get3A_83 : vector<384xf32> to vector<1x1x384xf32>
    %slice3A_85 = vector.extract_strided_slice %get3A_11 {offsets = [1, 2, 0], sizes = [8, 56, 384], strides = [1, 1, 1]} : vector<12x60x384xf32> to vector<8x56x384xf32>
    %mul3A_86 = vector.broadcast %broadcast_in_dim3A_84 : vector<1x1x384xf32> to vector<8x56x384xf32>
    %mul3A_87 = arith.mulf %mul3A_86, %slice3A_85 : vector<8x56x384xf32>
    %add3A_88 = arith.addf %add3A_78, %mul3A_87 : vector<8x56x384xf32>
    %get3A_89 = arith.constant 0 : index
    %get3A_90 = arith.constant 8 : index
    %get3A_91 = arith.constant 0 : index
    %get3A_92 = vector.load %arg4[%get3A_89, %get3A_90, %get3A_91] : memref<1x25x384xf32, #tpu.memory_space<vmem>>, vector<1x1x384xf32>
    %get3A_93 = vector.shape_cast %get3A_92 : vector<1x1x384xf32> to vector<384xf32>
    %broadcast_in_dim3A_94 = vector.shape_cast %get3A_93 : vector<384xf32> to vector<1x1x384xf32>
    %slice3A_95 = vector.extract_strided_slice %get3A_11 {offsets = [1, 3, 0], sizes = [8, 56, 384], strides = [1, 1, 1]} : vector<12x60x384xf32> to vector<8x56x384xf32>
    %mul3A_96 = vector.broadcast %broadcast_in_dim3A_94 : vector<1x1x384xf32> to vector<8x56x384xf32>
    %mul3A_97 = arith.mulf %mul3A_96, %slice3A_95 : vector<8x56x384xf32>
    %add3A_98 = arith.addf %add3A_88, %mul3A_97 : vector<8x56x384xf32>
    %get3A_99 = arith.constant 0 : index
    %get3A_100 = arith.constant 9 : index
    %get3A_101 = arith.constant 0 : index
    %get3A_102 = vector.load %arg4[%get3A_99, %get3A_100, %get3A_101] : memref<1x25x384xf32, #tpu.memory_space<vmem>>, vector<1x1x384xf32>
    %get3A_103 = vector.shape_cast %get3A_102 : vector<1x1x384xf32> to vector<384xf32>
    %broadcast_in_dim3A_104 = vector.shape_cast %get3A_103 : vector<384xf32> to vector<1x1x384xf32>
    %slice3A_105 = vector.extract_strided_slice %get3A_11 {offsets = [1, 4, 0], sizes = [8, 56, 384], strides = [1, 1, 1]} : vector<12x60x384xf32> to vector<8x56x384xf32>
    %mul3A_106 = vector.broadcast %broadcast_in_dim3A_104 : vector<1x1x384xf32> to vector<8x56x384xf32>
    %mul3A_107 = arith.mulf %mul3A_106, %slice3A_105 : vector<8x56x384xf32>
    %add3A_108 = arith.addf %add3A_98, %mul3A_107 : vector<8x56x384xf32>
    %get3A_109 = arith.constant 0 : index
    %get3A_110 = arith.constant 10 : index
    %get3A_111 = arith.constant 0 : index
    %get3A_112 = vector.load %arg4[%get3A_109, %get3A_110, %get3A_111] : memref<1x25x384xf32, #tpu.memory_space<vmem>>, vector<1x1x384xf32>
    %get3A_113 = vector.shape_cast %get3A_112 : vector<1x1x384xf32> to vector<384xf32>
    %broadcast_in_dim3A_114 = vector.shape_cast %get3A_113 : vector<384xf32> to vector<1x1x384xf32>
    %slice3A_115 = vector.extract_strided_slice %get3A_11 {offsets = [2, 0, 0], sizes = [8, 56, 384], strides = [1, 1, 1]} : vector<12x60x384xf32> to vector<8x56x384xf32>
    %mul3A_116 = vector.broadcast %broadcast_in_dim3A_114 : vector<1x1x384xf32> to vector<8x56x384xf32>
    %mul3A_117 = arith.mulf %mul3A_116, %slice3A_115 : vector<8x56x384xf32>
    %add3A_118 = arith.addf %add3A_108, %mul3A_117 : vector<8x56x384xf32>
    %get3A_119 = arith.constant 0 : index
    %get3A_120 = arith.constant 11 : index
    %get3A_121 = arith.constant 0 : index
    %get3A_122 = vector.load %arg4[%get3A_119, %get3A_120, %get3A_121] : memref<1x25x384xf32, #tpu.memory_space<vmem>>, vector<1x1x384xf32>
    %get3A_123 = vector.shape_cast %get3A_122 : vector<1x1x384xf32> to vector<384xf32>
    %broadcast_in_dim3A_124 = vector.shape_cast %get3A_123 : vector<384xf32> to vector<1x1x384xf32>
    %slice3A_125 = vector.extract_strided_slice %get3A_11 {offsets = [2, 1, 0], sizes = [8, 56, 384], strides = [1, 1, 1]} : vector<12x60x384xf32> to vector<8x56x384xf32>
    %mul3A_126 = vector.broadcast %broadcast_in_dim3A_124 : vector<1x1x384xf32> to vector<8x56x384xf32>
    %mul3A_127 = arith.mulf %mul3A_126, %slice3A_125 : vector<8x56x384xf32>
    %add3A_128 = arith.addf %add3A_118, %mul3A_127 : vector<8x56x384xf32>
    %get3A_129 = arith.constant 0 : index
    %get3A_130 = arith.constant 12 : index
    %get3A_131 = arith.constant 0 : index
    %get3A_132 = vector.load %arg4[%get3A_129, %get3A_130, %get3A_131] : memref<1x25x384xf32, #tpu.memory_space<vmem>>, vector<1x1x384xf32>
    %get3A_133 = vector.shape_cast %get3A_132 : vector<1x1x384xf32> to vector<384xf32>
    %broadcast_in_dim3A_134 = vector.shape_cast %get3A_133 : vector<384xf32> to vector<1x1x384xf32>
    %slice3A_135 = vector.extract_strided_slice %get3A_11 {offsets = [2, 2, 0], sizes = [8, 56, 384], strides = [1, 1, 1]} : vector<12x60x384xf32> to vector<8x56x384xf32>
    %mul3A_136 = vector.broadcast %broadcast_in_dim3A_134 : vector<1x1x384xf32> to vector<8x56x384xf32>
    %mul3A_137 = arith.mulf %mul3A_136, %slice3A_135 : vector<8x56x384xf32>
    %add3A_138 = arith.addf %add3A_128, %mul3A_137 : vector<8x56x384xf32>
    %get3A_139 = arith.constant 0 : index
    %get3A_140 = arith.constant 13 : index
    %get3A_141 = arith.constant 0 : index
    %get3A_142 = vector.load %arg4[%get3A_139, %get3A_140, %get3A_141] : memref<1x25x384xf32, #tpu.memory_space<vmem>>, vector<1x1x384xf32>
    %get3A_143 = vector.shape_cast %get3A_142 : vector<1x1x384xf32> to vector<384xf32>
    %broadcast_in_dim3A_144 = vector.shape_cast %get3A_143 : vector<384xf32> to vector<1x1x384xf32>
    %slice3A_145 = vector.extract_strided_slice %get3A_11 {offsets = [2, 3, 0], sizes = [8, 56, 384], strides = [1, 1, 1]} : vector<12x60x384xf32> to vector<8x56x384xf32>
    %mul3A_146 = vector.broadcast %broadcast_in_dim3A_144 : vector<1x1x384xf32> to vector<8x56x384xf32>
    %mul3A_147 = arith.mulf %mul3A_146, %slice3A_145 : vector<8x56x384xf32>
    %add3A_148 = arith.addf %add3A_138, %mul3A_147 : vector<8x56x384xf32>
    %get3A_149 = arith.constant 0 : index
    %get3A_150 = arith.constant 14 : index
    %get3A_151 = arith.constant 0 : index
    %get3A_152 = vector.load %arg4[%get3A_149, %get3A_150, %get3A_151] : memref<1x25x384xf32, #tpu.memory_space<vmem>>, vector<1x1x384xf32>
    %get3A_153 = vector.shape_cast %get3A_152 : vector<1x1x384xf32> to vector<384xf32>
    %broadcast_in_dim3A_154 = vector.shape_cast %get3A_153 : vector<384xf32> to vector<1x1x384xf32>
    %slice3A_155 = vector.extract_strided_slice %get3A_11 {offsets = [2, 4, 0], sizes = [8, 56, 384], strides = [1, 1, 1]} : vector<12x60x384xf32> to vector<8x56x384xf32>
    %mul3A_156 = vector.broadcast %broadcast_in_dim3A_154 : vector<1x1x384xf32> to vector<8x56x384xf32>
    %mul3A_157 = arith.mulf %mul3A_156, %slice3A_155 : vector<8x56x384xf32>
    %add3A_158 = arith.addf %add3A_148, %mul3A_157 : vector<8x56x384xf32>
    %get3A_159 = arith.constant 0 : index
    %get3A_160 = arith.constant 15 : index
    %get3A_161 = arith.constant 0 : index
    %get3A_162 = vector.load %arg4[%get3A_159, %get3A_160, %get3A_161] : memref<1x25x384xf32, #tpu.memory_space<vmem>>, vector<1x1x384xf32>
    %get3A_163 = vector.shape_cast %get3A_162 : vector<1x1x384xf32> to vector<384xf32>
    %broadcast_in_dim3A_164 = vector.shape_cast %get3A_163 : vector<384xf32> to vector<1x1x384xf32>
    %slice3A_165 = vector.extract_strided_slice %get3A_11 {offsets = [3, 0, 0], sizes = [8, 56, 384], strides = [1, 1, 1]} : vector<12x60x384xf32> to vector<8x56x384xf32>
    %mul3A_166 = vector.broadcast %broadcast_in_dim3A_164 : vector<1x1x384xf32> to vector<8x56x384xf32>
    %mul3A_167 = arith.mulf %mul3A_166, %slice3A_165 : vector<8x56x384xf32>
    %add3A_168 = arith.addf %add3A_158, %mul3A_167 : vector<8x56x384xf32>
    %get3A_169 = arith.constant 0 : index
    %get3A_170 = arith.constant 16 : index
    %get3A_171 = arith.constant 0 : index
    %get3A_172 = vector.load %arg4[%get3A_169, %get3A_170, %get3A_171] : memref<1x25x384xf32, #tpu.memory_space<vmem>>, vector<1x1x384xf32>
    %get3A_173 = vector.shape_cast %get3A_172 : vector<1x1x384xf32> to vector<384xf32>
    %broadcast_in_dim3A_174 = vector.shape_cast %get3A_173 : vector<384xf32> to vector<1x1x384xf32>
    %slice3A_175 = vector.extract_strided_slice %get3A_11 {offsets = [3, 1, 0], sizes = [8, 56, 384], strides = [1, 1, 1]} : vector<12x60x384xf32> to vector<8x56x384xf32>
    %mul3A_176 = vector.broadcast %broadcast_in_dim3A_174 : vector<1x1x384xf32> to vector<8x56x384xf32>
    %mul3A_177 = arith.mulf %mul3A_176, %slice3A_175 : vector<8x56x384xf32>
    %add3A_178 = arith.addf %add3A_168, %mul3A_177 : vector<8x56x384xf32>
    %get3A_179 = arith.constant 0 : index
    %get3A_180 = arith.constant 17 : index
    %get3A_181 = arith.constant 0 : index
    %get3A_182 = vector.load %arg4[%get3A_179, %get3A_180, %get3A_181] : memref<1x25x384xf32, #tpu.memory_space<vmem>>, vector<1x1x384xf32>
    %get3A_183 = vector.shape_cast %get3A_182 : vector<1x1x384xf32> to vector<384xf32>
    %broadcast_in_dim3A_184 = vector.shape_cast %get3A_183 : vector<384xf32> to vector<1x1x384xf32>
    %slice3A_185 = vector.extract_strided_slice %get3A_11 {offsets = [3, 2, 0], sizes = [8, 56, 384], strides = [1, 1, 1]} : vector<12x60x384xf32> to vector<8x56x384xf32>
    %mul3A_186 = vector.broadcast %broadcast_in_dim3A_184 : vector<1x1x384xf32> to vector<8x56x384xf32>
    %mul3A_187 = arith.mulf %mul3A_186, %slice3A_185 : vector<8x56x384xf32>
    %add3A_188 = arith.addf %add3A_178, %mul3A_187 : vector<8x56x384xf32>
    %get3A_189 = arith.constant 0 : index
    %get3A_190 = arith.constant 18 : index
    %get3A_191 = arith.constant 0 : index
    %get3A_192 = vector.load %arg4[%get3A_189, %get3A_190, %get3A_191] : memref<1x25x384xf32, #tpu.memory_space<vmem>>, vector<1x1x384xf32>
    %get3A_193 = vector.shape_cast %get3A_192 : vector<1x1x384xf32> to vector<384xf32>
    %broadcast_in_dim3A_194 = vector.shape_cast %get3A_193 : vector<384xf32> to vector<1x1x384xf32>
    %slice3A_195 = vector.extract_strided_slice %get3A_11 {offsets = [3, 3, 0], sizes = [8, 56, 384], strides = [1, 1, 1]} : vector<12x60x384xf32> to vector<8x56x384xf32>
    %mul3A_196 = vector.broadcast %broadcast_in_dim3A_194 : vector<1x1x384xf32> to vector<8x56x384xf32>
    %mul3A_197 = arith.mulf %mul3A_196, %slice3A_195 : vector<8x56x384xf32>
    %add3A_198 = arith.addf %add3A_188, %mul3A_197 : vector<8x56x384xf32>
    %get3A_199 = arith.constant 0 : index
    %get3A_200 = arith.constant 19 : index
    %get3A_201 = arith.constant 0 : index
    %get3A_202 = vector.load %arg4[%get3A_199, %get3A_200, %get3A_201] : memref<1x25x384xf32, #tpu.memory_space<vmem>>, vector<1x1x384xf32>
    %get3A_203 = vector.shape_cast %get3A_202 : vector<1x1x384xf32> to vector<384xf32>
    %broadcast_in_dim3A_204 = vector.shape_cast %get3A_203 : vector<384xf32> to vector<1x1x384xf32>
    %slice3A_205 = vector.extract_strided_slice %get3A_11 {offsets = [3, 4, 0], sizes = [8, 56, 384], strides = [1, 1, 1]} : vector<12x60x384xf32> to vector<8x56x384xf32>
    %mul3A_206 = vector.broadcast %broadcast_in_dim3A_204 : vector<1x1x384xf32> to vector<8x56x384xf32>
    %mul3A_207 = arith.mulf %mul3A_206, %slice3A_205 : vector<8x56x384xf32>
    %add3A_208 = arith.addf %add3A_198, %mul3A_207 : vector<8x56x384xf32>
    %get3A_209 = arith.constant 0 : index
    %get3A_210 = arith.constant 20 : index
    %get3A_211 = arith.constant 0 : index
    %get3A_212 = vector.load %arg4[%get3A_209, %get3A_210, %get3A_211] : memref<1x25x384xf32, #tpu.memory_space<vmem>>, vector<1x1x384xf32>
    %get3A_213 = vector.shape_cast %get3A_212 : vector<1x1x384xf32> to vector<384xf32>
    %broadcast_in_dim3A_214 = vector.shape_cast %get3A_213 : vector<384xf32> to vector<1x1x384xf32>
    %slice3A_215 = vector.extract_strided_slice %get3A_11 {offsets = [4, 0, 0], sizes = [8, 56, 384], strides = [1, 1, 1]} : vector<12x60x384xf32> to vector<8x56x384xf32>
    %mul3A_216 = vector.broadcast %broadcast_in_dim3A_214 : vector<1x1x384xf32> to vector<8x56x384xf32>
    %mul3A_217 = arith.mulf %mul3A_216, %slice3A_215 : vector<8x56x384xf32>
    %add3A_218 = arith.addf %add3A_208, %mul3A_217 : vector<8x56x384xf32>
    %get3A_219 = arith.constant 0 : index
    %get3A_220 = arith.constant 21 : index
    %get3A_221 = arith.constant 0 : index
    %get3A_222 = vector.load %arg4[%get3A_219, %get3A_220, %get3A_221] : memref<1x25x384xf32, #tpu.memory_space<vmem>>, vector<1x1x384xf32>
    %get3A_223 = vector.shape_cast %get3A_222 : vector<1x1x384xf32> to vector<384xf32>
    %broadcast_in_dim3A_224 = vector.shape_cast %get3A_223 : vector<384xf32> to vector<1x1x384xf32>
    %slice3A_225 = vector.extract_strided_slice %get3A_11 {offsets = [4, 1, 0], sizes = [8, 56, 384], strides = [1, 1, 1]} : vector<12x60x384xf32> to vector<8x56x384xf32>
    %mul3A_226 = vector.broadcast %broadcast_in_dim3A_224 : vector<1x1x384xf32> to vector<8x56x384xf32>
    %mul3A_227 = arith.mulf %mul3A_226, %slice3A_225 : vector<8x56x384xf32>
    %add3A_228 = arith.addf %add3A_218, %mul3A_227 : vector<8x56x384xf32>
    %get3A_229 = arith.constant 0 : index
    %get3A_230 = arith.constant 22 : index
    %get3A_231 = arith.constant 0 : index
    %get3A_232 = vector.load %arg4[%get3A_229, %get3A_230, %get3A_231] : memref<1x25x384xf32, #tpu.memory_space<vmem>>, vector<1x1x384xf32>
    %get3A_233 = vector.shape_cast %get3A_232 : vector<1x1x384xf32> to vector<384xf32>
    %broadcast_in_dim3A_234 = vector.shape_cast %get3A_233 : vector<384xf32> to vector<1x1x384xf32>
    %slice3A_235 = vector.extract_strided_slice %get3A_11 {offsets = [4, 2, 0], sizes = [8, 56, 384], strides = [1, 1, 1]} : vector<12x60x384xf32> to vector<8x56x384xf32>
    %mul3A_236 = vector.broadcast %broadcast_in_dim3A_234 : vector<1x1x384xf32> to vector<8x56x384xf32>
    %mul3A_237 = arith.mulf %mul3A_236, %slice3A_235 : vector<8x56x384xf32>
    %add3A_238 = arith.addf %add3A_228, %mul3A_237 : vector<8x56x384xf32>
    %get3A_239 = arith.constant 0 : index
    %get3A_240 = arith.constant 23 : index
    %get3A_241 = arith.constant 0 : index
    %get3A_242 = vector.load %arg4[%get3A_239, %get3A_240, %get3A_241] : memref<1x25x384xf32, #tpu.memory_space<vmem>>, vector<1x1x384xf32>
    %get3A_243 = vector.shape_cast %get3A_242 : vector<1x1x384xf32> to vector<384xf32>
    %broadcast_in_dim3A_244 = vector.shape_cast %get3A_243 : vector<384xf32> to vector<1x1x384xf32>
    %slice3A_245 = vector.extract_strided_slice %get3A_11 {offsets = [4, 3, 0], sizes = [8, 56, 384], strides = [1, 1, 1]} : vector<12x60x384xf32> to vector<8x56x384xf32>
    %mul3A_246 = vector.broadcast %broadcast_in_dim3A_244 : vector<1x1x384xf32> to vector<8x56x384xf32>
    %mul3A_247 = arith.mulf %mul3A_246, %slice3A_245 : vector<8x56x384xf32>
    %add3A_248 = arith.addf %add3A_238, %mul3A_247 : vector<8x56x384xf32>
    %get3A_249 = arith.constant 0 : index
    %get3A_250 = arith.constant 24 : index
    %get3A_251 = arith.constant 0 : index
    %get3A_252 = vector.load %arg4[%get3A_249, %get3A_250, %get3A_251] : memref<1x25x384xf32, #tpu.memory_space<vmem>>, vector<1x1x384xf32>
    %get3A_253 = vector.shape_cast %get3A_252 : vector<1x1x384xf32> to vector<384xf32>
    %broadcast_in_dim3A_254 = vector.shape_cast %get3A_253 : vector<384xf32> to vector<1x1x384xf32>
    %slice3A_255 = vector.extract_strided_slice %get3A_11 {offsets = [4, 4, 0], sizes = [8, 56, 384], strides = [1, 1, 1]} : vector<12x60x384xf32> to vector<8x56x384xf32>
    %mul3A_256 = vector.broadcast %broadcast_in_dim3A_254 : vector<1x1x384xf32> to vector<8x56x384xf32>
    %mul3A_257 = arith.mulf %mul3A_256, %slice3A_255 : vector<8x56x384xf32>
    %add3A_258 = arith.addf %add3A_248, %mul3A_257 : vector<8x56x384xf32>
    %reshape3A = vector.shape_cast %add3A_258 : vector<8x56x384xf32> to vector<448x384xf32>
    %get3A_259 = arith.constant 0 : index
    %get3A_260 = arith.constant 0 : index
    %get3A_261 = vector.load %arg5[%get3A_259, %get3A_260] : memref<384x384xf32, #tpu.memory_space<vmem>>, vector<384x384xf32>
    %dot_general3A = arith.constant dense<0.000000e+00> : vector<448x384xf32>
    %dot_general3A_262 = tpu.matmul %reshape3A, %get3A_261, %dot_general3A {dimension_numbers = #tpu.dot_dimension_numbers<[1], [0], [0], [1], [0, 0, 1, 1], [], []>, transpose_lhs_hint = false} : vector<448x384xf32>, vector<384x384xf32>, vector<448x384xf32> -> vector<448x384xf32>
    %get3A_263 = arith.constant 0 : index
    %get3A_264 = arith.constant 0 : index
    %get3A_265 = vector.load %arg6[%get3A_263, %get3A_264] : memref<1x384xf32, #tpu.memory_space<vmem>>, vector<1x384xf32>
    %add3A_266 = vector.broadcast %get3A_265 : vector<1x384xf32> to vector<448x384xf32>
    %add3A_267 = arith.addf %dot_general3A_262, %add3A_266 : vector<448x384xf32>
    %reshape3A_268 = vector.shape_cast %add3A_267 : vector<448x384xf32> to vector<8x56x384xf32>
    %swap3A = arith.constant 0 : index
    %swap3A_269 = arith.constant 0 : index
    %swap3A_270 = arith.constant 0 : index
    %swap3A_271 = arith.constant 0 : index
    %swap3A_272 = vector.load %arg7[%swap3A, %swap3A_269, %swap3A_270, %swap3A_271] : memref<1x8x56x384xf32, #tpu.memory_space<vmem>>, vector<1x8x56x384xf32>
    %swap3A_273 = vector.shape_cast %swap3A_272 : vector<1x8x56x384xf32> to vector<8x56x384xf32>
    %swap3A_274 = vector.shape_cast %reshape3A_268 : vector<8x56x384xf32> to vector<1x8x56x384xf32>
    tpu.vector_store %arg7[%swap3A, %swap3A_269, %swap3A_270, %swap3A_271], %swap3A_274 {strides = array<i32>} : memref<1x8x56x384xf32, #tpu.memory_space<vmem>>, vector<1x8x56x384xf32>,
    return
  }
  func.func @transform_0(%arg0: i32, %arg1: i32) -> (i32, i32, i32, i32) {
    %c0_i32 = arith.constant 0 : i32
    %c0_i32_0 = arith.constant 0 : i32
    %c0_i32_1 = arith.constant 0 : i32
    return %arg0, %arg1, %c0_i32, %c0_i32_0 : i32, i32, i32, i32
  }
  func.func @transform_1(%arg0: i32, %arg1: i32) -> (i32, i32, i32, i32) {
    %c0_i32 = arith.constant 0 : i32
    %c0_i32_0 = arith.constant 0 : i32
    %c0_i32_1 = arith.constant 0 : i32
    %c0_i32_2 = arith.constant 0 : i32
    return %arg0, %c0_i32, %c0_i32_0, %c0_i32_1 : i32, i32, i32, i32
  }
  func.func @transform_2(%arg0: i32, %arg1: i32) -> (i32, i32, i32) {
    %c0_i32 = arith.constant 0 : i32
    %c0_i32_0 = arith.constant 0 : i32
    %c0_i32_1 = arith.constant 0 : i32
    %c0_i32_2 = arith.constant 0 : i32
    return %c0_i32, %c0_i32_0, %c0_i32_1 : i32, i32, i32
  }
  func.func @transform_3(%arg0: i32, %arg1: i32) -> (i32, i32) {
    %c0_i32 = arith.constant 0 : i32
    %c0_i32_0 = arith.constant 0 : i32
    %c0_i32_1 = arith.constant 0 : i32
    return %c0_i32, %c0_i32_0 : i32, i32
  }
  func.func @transform_4(%arg0: i32, %arg1: i32) -> (i32, i32) {
    %c0_i32 = arith.constant 0 : i32
    %c0_i32_0 = arith.constant 0 : i32
    %c0_i32_1 = arith.constant 0 : i32
    return %c0_i32, %c0_i32_0 : i32, i32
  }
  func.func @transform_5(%arg0: i32, %arg1: i32) -> (i32, i32, i32, i32) {
    %c0_i32 = arith.constant 0 : i32
    %c0_i32_0 = arith.constant 0 : i32
    %c0_i32_1 = arith.constant 0 : i32
    return %arg0, %arg1, %c0_i32, %c0_i32_0 : i32, i32, i32, i32
  }
}

</mosaic_0001>

<sc_bundles>
// kernel: sparse-core-data-format-call.cloned.1.call-start
scs
called_computation_lowered:
.L_overlay_start_0:
0x0: {  	s1 =	sld [smem:$0x3FD9]  }
0x1: {  	s2 =	sld [smem:$0x3FFE];
	_ =	sdelay $0x1  }
0x2: {  	s3 =	srdreg.scid  }
0x3: {  	s0 =	sand.u32 $0x1, s3  }
0x4: {  	s17 =	sshll.u32 s0, $0xA;
	s1 =	sadd.s32 s2, s1  }
0x5: {  	s1 =	sadd.s32 s1, s17  }
0x6: {  	[smem:$0x3FC2] =	sst s1  }
0x7: {  	_ = 	snop  }
0x8: {  	(tm) =	ssettm $0x1  }
0x9: {  	s18 =	sld [smem:$0x3FFB];
	_ =	sdelay $0x3  }
0xa: {  	_ =	strace s18  }
0xb: {  	s1 =	sld [smem:$0x3FFC];
	_ =	sdelay $0x3  }
0xc: {  	_ =	strace s1  }
0xd: {  	s1 =	sld [smem:$0x3FFD];
	_ =	sdelay $0x3  }
0xe: {  	_ =	strace s1  }
0xf: {  	_ =	strace $0x8FFFFFFF  }
0x10: {  	s19 =	sld [smem:$0x3FDB];
	_ =	sdelay $0x1  }
0x11: {  	s20 =	simm.s32 $_scs_section_size  }
0x12: {  	s4 =	simm.s32 $_size__tile_overlayer_lowered;
	s5 =	simm.s32 $_tile_overlayer_lowered  }
0x13: {  	s23 =	simm.s32 $0x1BFF;
	s22 =	sshll.u32 s5, $0x1;
	s1 =	sadd.s32 s20, s19  }
0x14: {  	s6 =	simm.s32 $0x0;
	s21 =	sshll.u32 s4, $0x1;
	s4 =	sadd.s32 s22, s1  }
0x15: {  	[timem:s6], [sflag:s23] =	dma.local [hbm:s4], s21  }
0x16: {  	_ =	swait.ge [sflag:s23], s21  }
0x17: {  	s2 =	ssub.s32 $0x0, s21;
	[sflag:s23] =	ssyncset.done $0x0  }
0x18: {  	[sflag:s23] =	ssyncadd.s32 s2;
	_ =	sdelay $0x1  }
0x19: {  	s24 =	simm.s32 $0x1B8B  }
0x1a: {  	_ =	swait.ge [sflag:s24], $0x1  }
0x1b: {  	[sflag:s24] =	ssyncset.done $0x0  }
0x1c: {  	s26 =	simm.s32 $0x1B8E;
	s25 =	sld [smem:$0x3FFE];
	[sflag:s24] =	ssyncadd.s32 $0xFFFFFFFF  }
0x1d: {  	s27 =	simm.s32 $execute0_lowered;
	[smem:$0x3FD2] =	sst s26  }
0x1e: {  	s4 =	sshll.u32 s27, $0x1;
	_ =	strace $0x80000046;
	[dreg:$0x1] =	wrdreg $0xFFFFFFFF  }
0x1f: {  	s28 =	simm.s32 $_size_execute0_lowered;
	s1 =	sadd.s32 s1, s4;
	[dreg:$0x0] =	wrdreg $0x0  }
0x20: {  	s4 =	sshll.u32 s28, $0x1;
	[dreg:$0x2] =	wrdreg s1  }
0x21: {  	[dreg:$0x3] =	wrdreg s4  }
0x22: {  	[dreg:$0x4] =	wrdreg $0xC0  }
0x23: {  	_ =	task [dreg:s6], $0x5FFFF  }
0x24: {  	[dreg:$0x1] =	wrdreg $0xFFFFFFFF  }
0x25: {  	[dreg:$0x0] =	wrdreg $0x60  }
0x26: {  	[dreg:$0x2] =	wrdreg s25  }
0x27: {  	[dreg:$0x3] =	wrdreg $0x9  }
0x28: {  	_ =	task.clear_ibuf [dreg:s6], $0x4FFFF;
	_ =	strace $0x90000046  }
0x29: {  	s29 =	simm.s32 $0x9;
	_ =	strace $0x80000048  }
0x2a: {  	_ =	swait.ge [sflag:s29], $0x1  }
0x2b: {  	[sflag:s29] =	ssyncadd.s32 $0xFFFFFFFF  }
0x2c: {  	_ =	strace $0x90000048  }
0x2d: {  	_ =	sfence  }
0x2e: {  	s30 =	sld [smem:$0x0];
	_ =	sdelay $0x2  }
0x2f: {  	s31 =	sshll.u32 s3, $0xD;
	s3 =	sshrl.u32 s3, $0x2  }
0x30: {  	s2 =	sand.u32 $0x4000, s31;
	s1 =	sadd.s32 s3, s30  }
0x31: {  	s0 =	sor.u32 s2, s0;
	s1 =	sshll.u32 s1, $0x11  }
0x32: {  	s0 =	sor.u32 s1, s0  }
0x33: {  	s0 =	sadd.s32 $0x8F2B, s0  }
0x34: {  	[sflag:s0] =	ssyncadd.remote.s32 $0x1  }
0x35: {  	_ =	sfence.sel $0xFFFF  }
0x36: {  	[dreg:$0x0] =	wrdreg $0xFFFFFFFF;
	(pc) =	sbr.abs _section_cstart, $3  }
0x37: {  	[dreg:$0x1] =	wrdreg $0xFFFFFFFF  }
0x38: {  	_ =	task.clear_ibuf [dreg:s6], $0x2FFFF;
	_ =	strace $0x9FFFFFFF  }
0x39: {  	(tm) =	ssettm $0x7FFFFFFF  }
tec
execute0_lowered:
.L_overlay_start_1:
0x0: {  	(tag) =	ssettag $0x1  }
0x1: {  	s0 =	srdreg.scid  }
0x2: {  	s3 =	rddreg [dreg:$0x0];
	s1 =	stileid.u32  }
0x3: {  	s6 =	simm.s32 $0x1;
	s7 =	simm.s32 $0x0;
	s8 =	simm.s32 $0x2  }
0x4: {  	s19 =	simm.s32 $0x0;
	s9 =	simm.s32 $0x2400;
	s22 =	simm.s32 $0x0  }
0x5: {  	s17 =	simm.s32 $0x0;
	s18 =	simm.s32 $0x0;
	s20 =	simm.s32 $0x0  }
0x6: {  	s21 =	simm.s32 $0x0;
	s10 =	simm.s32 $0x0;
	s11 =	simm.s32 $0x0  }
0x7: {  	s12 =	simm.s32 $0x0;
	s13 =	simm.s32 $0x0;
	s2 =	sshll.u32 s0, $0x4  }
0x8: {  	s16 =	simm.s32 $0x0;
	s0 =	rddreg [dreg:$0x1];
	s4 =	sand.u32 $0x10, s2  }
.Ltmp0:
0x9: {  	_ =	strace $0x80000047;
	s5 =	sor.u32 s1, s4;
	(pc) =	sbr.rel .LBB1_1-.Ltmp0, $4  }
0xa: {  	s2 =	sadd.s32 $0x1400, s3;
	s3 =	sadd.s32 $0x1BA400, s3;
	s5 =	sshrl.u32 s5, $0x2  }
0xb: {  	[sflag:s6] =	ssyncpa.u1 $0x0;
	s4 =	sand.u32 $0x3, s1;
	p0 =	seq.s32 s5, $0x7  }
0xc: {  	[sflag:s8] =	ssyncpa.u1 $0x0;
	s15 =	smov.u32 s4;
	s7 =	simm.s32 @!p0 $0x3F  }
0xd: {  	s14 =	smov.u32 s5;
	p0 =	por $0x0, $0x0;
	s8 =	sadd.s32 $0x1, s7  }
.LBB1_7:
0xe: {  	s23 =	sadd.s32 $0x80, s10  }
0xf: {  	s17 =	sadd.s32 $0x8, s11;
	s24 =	smov.u32 s11;
	p2 =	sgt.s32 s23, $0x47F  }
0x10: {  	s24 =	smov.u32 @p2 s17  }
0x11: {  	s17 =	simm.s32 $0x1;
	p3 =	sgt.s32 s24, $0x7  }
0x12: {  	s17 =	simm.s32 @!p3 $0x0  }
0x13: {  	s26 =	smov.u32 s13;
	s25 =	sadd.s32 s17, s12  }
0x14: {  	s27 =	smov.u32 s14;
	s17 =	sadd.s32 $0x8, s13;
	p4 =	sgt.s32 s25, $0x6  }
0x15: {  	p1 =	slt.u32 s16, $0x2;
	s28 =	smov.u32 s15;
	s26 =	smov.u32 @p4 s17  }
0x16: {  	s19 =	smov.u32 s10;
	s17 =	sadd.s32 $0x8, s14;
	p5 =	sgt.s32 s26, $0x7  }
0x17: {  	s22 =	smov.u32 s11;
	s18 =	smov.u32 s13;
	s27 =	smov.u32 @p5 s17  }
0x18: {  	s23 =	simm.s32 @p2 $0x0;
	s17 =	sadd.s32 $0x4, s15;
	p2 =	sgt.s32 s27, $0x6  }
0x19: {  	s20 =	smov.u32 s14;
	s21 =	smov.u32 s15;
	s28 =	smov.u32 @p2 s17  }
0x1a: {  	s29 =	simm.s32 @!p1 $0x2;
	s27 =	smov.u32 @p2 s5;
	p2 =	sgt.s32 s28, $0x3  }
0x1b: {  	_ =	swait.ge @!p1 [sflag:s29], $0x2000;
	s28 =	smov.u32 @p2 s4;
	p2 =	sne.s32 s16, s8  }
.Ltmp1:
0x1c: {  	p0 =	por !p0, !p0;
	[sflag:s29] =	ssyncset.done @!p1 $0x0;
	(pc) =	sbr.rel @!p2 .LBB1_8-.Ltmp1, $4  }
0x1d: {  	s10 =	smov.u32 s23;
	s24 =	simm.s32 @p3 $0x0;
	[sflag:s29] =	ssyncadd.s32 @!p1 $0xFFFFE000  }
0x1e: {  	s11 =	smov.u32 s24;
	s25 =	simm.s32 @p4 $0x0;
	s26 =	simm.s32 @p5 $0x0  }
0x1f: {  	s13 =	smov.u32 s26;
	s17 =	smov.u32 s12;
	s12 =	smov.u32 s25  }
0x20: {  	s14 =	smov.u32 s27;
	s16 =	sadd.s32 $0x1, s16;
	s15 =	smov.u32 s28  }
.LBB1_1:
0x21: {  	p1 =	sge.u32 s16, s7  }
0x22: {  	s23 =	sshrl.u32 @!p1 s11, $0x3  }
0x23: {  	s24 =	sshll.u32 @!p1 s10, $0x3;
	s23 =	smul.u32 @!p1 $0x2400, s23  }
0x24: {  	s25 =	sshll.u32 @!p1 s11, $0x7;
	s24 =	sand.u32 @!p1 $0xFFFFFC00, s24  }
0x25: {  	s27 =	smul.u32 @!p1 $0x6E400, s15;
	s23 =	sadd.s32 @!p1 s23, s24;
	s24 =	sand.u32 @!p1 $0x380, s25  }
0x26: {  	s28 =	smul.u32 @!p1 $0xFC00, s14;
	s25 =	sand.u32 @!p1 $0x7F, s10;
	s23 =	sor.u32 @!p1 s24, s23  }
0x27: {  	s29 =	smul.u32 @!p1 $0x1F80, s13;
	s24 =	sor.u32 @!p1 s25, s23  }
0x28: {  	s25 =	smulhi.u32 @!p1 $0x38E38E39, s24  }
0x29: {  	s31 =	sadd.s32 $0xFFFFFFFF, s16;
	s23 =	smulhi.u32 @!p1 $0x38E38E39, s23  }
0x2a: {  	s26 =	sxor.u32 @!p1 $0xFFFFFFFF, s16;
	s30 =	smul.u32 @!p1 $0x480, s12;
	s25 =	sshrl.u32 @!p1 s25, $0x8  }
0x2b: {  	s27 =	sadd.s32 @!p1 s2, s27;
	s23 =	sshrl.u32 @!p1 s23, $0x8;
	s25 =	smul.u32 @!p1 $0x480, s25  }
0x2c: {  	s26 =	sshll.u32 @!p1 s26, $0xD;
	s27 =	sadd.s32 @!p1 s28, s27;
	s23 =	sand.u32 @!p1 $0x7, s23  }
0x2d: {  	s23 =	smul.u32 @!p1 $0x90, s23;
	s24 =	ssub.s32 @!p1 s24, s25;
	s25 =	sadd.s32 @!p1 s29, s27  }
0x2e: {  	s26 =	sand.u32 @!p1 $0x2000, s26;
	s25 =	sadd.s32 @!p1 s30, s25;
	s27 =	sand.u32 @!p1 $0x7, s24  }
0x2f: {  	s24 =	sshrl.u32 @!p1 s24, $0x3;
	s23 =	sadd.s32 @!p1 s23, s25;
	s25 =	sshll.u32 @!p1 s27, $0x12  }
0x30: {  	s23 =	sadd.s32 @!p1 s24, s23;
	s24 =	sor.u32 @!p1 $0x400, s25;
	s25 =	simm.s32 @!p1 $0xFC00  }
0x31: {  	[tilespmem:s26], [sflag:$0x1] =	stream.strided.gather @!p1 [hbm4b:s23+s24], $0x2000, s25, s24, $0x38;
	[tilespmem:$0x8000] =	vst v63  }
0x32: {  	p1 =	sge.u32 s31, s7  }
.Ltmp2:
0x33: {  	_ = 	snop;
	(pc) =	sbr.rel @p1 .LBB1_7-.Ltmp2, $1  }
0x34: {  	_ =	sdelay $0x3  }
0x35: {  	s23 =	simm.s32 $0x1;
	_ =	swait.ge [sflag:s6], $0x2000;
	s26 =	sshll.u32 s16, $0xD  }
0x36: {  	s23 =	simm.s32 @!p0 $0x0;
	[sflag:s6] =	ssyncset.done $0x0;
	s31 =	sand.u32 $0x2000, s26  }
0x37: {  	s26 =	simm.s32 $0x0;
	s23 =	sshll.u32 s23, $0xD;
	[sflag:s6] =	ssyncadd.s32 $0xFFFFE000  }
0x38: {  	s24 =	sor.u32 $0x4040, s23;
	s25 =	sor.u32 $0x40, s23;
	s23 =	sor.u32 $0x4000, s31  }
.LBB1_3:
0x39: {  	v1 =	vmov s25;
	_ =	sdelay $0x3  }
0x3a: {  	s27 =	simm.s32 $0x0  }
0x3b: {  	v7 =	vld.idx.msk [tilespmem:v1+s27+$0x30 ss:$0x1], $0xffff  }
0x3c: {  	v0 =	vmov s24;
	v8 =	vld.idx.msk [tilespmem:v1+s27+$0xFFFFFFC0 ss:$0x1], $0xffff  }
0x3d: {  	v6 =	vld.idx.msk [tilespmem:v1+s27+$0xFFFFFFD0 ss:$0x1], $0xffff  }
0x3e: {  	v5 =	vld.idx.msk [tilespmem:v1+s27+$0xFFFFFFE0 ss:$0x1], $0xffff  }
0x3f: {  	v4 =	vld.idx.msk [tilespmem:v1+s27+$0xFFFFFFF0 ss:$0x1], $0xffff  }
0x40: {  	v2 =	vld.idx.msk [tilespmem:v1+s27+$0x0 ss:$0x1], $0xffff  }
0x41: {  	v3 =	vld.idx.msk [tilespmem:v1+s27+$0x10 ss:$0x1], $0xffff;
	[tilespmem:v0+s27+$0x30 ss:$0x1] =	vst.idx.msk $0xffff, v7  }
0x42: {  	s28 =	simm.s32 $0x80;
	s29 =	simm.s32 $0x400;
	[tilespmem:v0+s27+$0xFFFFFFC0 ss:$0x1] =	vst.idx.msk $0xffff, v8;
	v7 =	vld.idx.msk [tilespmem:v1+s27+$0x20 ss:$0x1], $0xffff  }
.LBB1_4:
0x43: {  	p1 =	sne.s32 s29, $0xE00;
	v8 =	vld.idx.msk [tilespmem:v1+s28+$0x30 ss:$0x1], $0xffff;
	[tilespmem:v0+s27+$0xFFFFFFD0 ss:$0x1] =	vst.idx.msk $0xffff, v6  }
0x44: {  	v9 =	vld.idx.msk [tilespmem:v1+s28+$0xFFFFFFC0 ss:$0x1], $0xffff;
	[tilespmem:v0+s27+$0xFFFFFFE0 ss:$0x1] =	vst.idx.msk $0xffff, v5  }
0x45: {  	v6 =	vld.idx.msk [tilespmem:v1+s28+$0xFFFFFFD0 ss:$0x1], $0xffff;
	[tilespmem:v0+s27+$0xFFFFFFF0 ss:$0x1] =	vst.idx.msk $0xffff, v4  }
.Ltmp3:
0x46: {  	v5 =	vld.idx.msk [tilespmem:v1+s28+$0xFFFFFFE0 ss:$0x1], $0xffff;
	[tilespmem:v0+s27+$0x0 ss:$0x1] =	vst.idx.msk $0xffff, v2;
	(pc) =	sbr.rel @p1 .LBB1_4-.Ltmp3, $4  }
0x47: {  	v4 =	vld.idx.msk [tilespmem:v1+s28+$0xFFFFFFF0 ss:$0x1], $0xffff;
	[tilespmem:v0+s27+$0x10 ss:$0x1] =	vst.idx.msk $0xffff, v3  }
0x48: {  	v2 =	vld.idx.msk [tilespmem:v1+s28+$0x0 ss:$0x1], $0xffff;
	[tilespmem:v0+s27+$0x20 ss:$0x1] =	vst.idx.msk $0xffff, v7;
	s27 =	smov.u32 s28  }
0x49: {  	v3 =	vld.idx.msk [tilespmem:v1+s27+$0x10 ss:$0x1], $0xffff;
	[tilespmem:v0+s27+$0x30 ss:$0x1] =	vst.idx.msk $0xffff, v8  }
0x4a: {  	s28 =	sshra.s32 s29, $0x2;
	s29 =	sadd.s32 $0x200, s29;
	[tilespmem:v0+s27+$0xFFFFFFC0 ss:$0x1] =	vst.idx.msk $0xffff, v9;
	v7 =	vld.idx.msk [tilespmem:v1+s27+$0x20 ss:$0x1], $0xffff  }
0x4b: {  	_ =	sdelay $0x3  }
0x4c: {  	[tilespmem:v0+s27+$0xFFFFFFD0 ss:$0x1] =	vst.idx.msk $0xffff, v6  }
0x4d: {  	v56 =	vld.idx.msk [tilespmem:v1+s28+$0x30 ss:$0x1], $0xffff;
	[tilespmem:v0+s27+$0xFFFFFFE0 ss:$0x1] =	vst.idx.msk $0xffff, v5  }
0x4e: {  	v57 =	vld.idx.msk [tilespmem:v1+s28+$0xFFFFFFC0 ss:$0x1], $0xffff;
	[tilespmem:v0+s27+$0xFFFFFFF0 ss:$0x1] =	vst.idx.msk $0xffff, v4  }
0x4f: {  	v58 =	vld.idx.msk [tilespmem:v1+s28+$0xFFFFFFD0 ss:$0x1], $0xffff;
	[tilespmem:v0+s27+$0x0 ss:$0x1] =	vst.idx.msk $0xffff, v2  }
0x50: {  	v59 =	vld.idx.msk [tilespmem:v1+s28+$0xFFFFFFE0 ss:$0x1], $0xffff;
	[tilespmem:v0+s27+$0x10 ss:$0x1] =	vst.idx.msk $0xffff, v3  }
0x51: {  	v60 =	vld.idx.msk [tilespmem:v1+s28+$0xFFFFFFF0 ss:$0x1], $0xffff;
	[tilespmem:v0+s27+$0x20 ss:$0x1] =	vst.idx.msk $0xffff, v7  }
0x52: {  	v61 =	vld.idx.msk [tilespmem:v1+s28+$0x0 ss:$0x1], $0xffff;
	[tilespmem:v0+s28+$0x30 ss:$0x1] =	vst.idx.msk $0xffff, v56  }
0x53: {  	v62 =	vld.idx.msk [tilespmem:v1+s28+$0x10 ss:$0x1], $0xffff;
	s26 =	sadd.s32 $0x1, s26;
	[tilespmem:v0+s28+$0xFFFFFFC0 ss:$0x1] =	vst.idx.msk $0xffff, v57  }
0x54: {  	v63 =	vld.idx.msk [tilespmem:v1+s28+$0x20 ss:$0x1], $0xffff;
	p1 =	sne.s32 s26, $0x8;
	[tilespmem:v0+s28+$0xFFFFFFD0 ss:$0x1] =	vst.idx.msk $0xffff, v58  }
.Ltmp4:
0x55: {  	[tilespmem:v0+s28+$0xFFFFFFE0 ss:$0x1] =	vst.idx.msk $0xffff, v59;
	(pc) =	sbr.rel @p1 .LBB1_3-.Ltmp4, $4  }
0x56: {  	[tilespmem:v0+s28+$0xFFFFFFF0 ss:$0x1] =	vst.idx.msk $0xffff, v60  }
0x57: {  	[tilespmem:v0+s28+$0x0 ss:$0x1] =	vst.idx.msk $0xffff, v61  }
0x58: {  	[tilespmem:v0+s28+$0x10 ss:$0x1] =	vst.idx.msk $0xffff, v62  }
0x59: {  	s24 =	sadd.s32 $0x400, s24;
	s25 =	sadd.s32 $0x400, s25;
	[tilespmem:v0+s28+$0x20 ss:$0x1] =	vst.idx.msk $0xffff, v63  }
0x5a: {  	s24 =	sshrl.u32 s22, $0x3  }
0x5b: {  	s25 =	sshll.u32 s19, $0x3;
	s24 =	smul.u32 $0x2400, s24  }
0x5c: {  	s27 =	sshll.u32 s22, $0x7;
	s25 =	sand.u32 $0xFFFFFC00, s25  }
0x5d: {  	s21 =	smul.u32 $0x6E400, s21;
	s22 =	sand.u32 $0x380, s27;
	s24 =	sadd.s32 s24, s25  }
0x5e: {  	s28 =	sand.u32 $0x7F, s19;
	s20 =	smul.u32 $0xFC00, s20;
	s22 =	sor.u32 s22, s24  }
0x5f: {  	s19 =	sor.u32 s28, s22;
	s22 =	smulhi.u32 $0x38E38E39, s22  }
0x60: {  	s29 =	smulhi.u32 $0x38E38E39, s19  }
0x61: {  	s18 =	smul.u32 $0x480, s18  }
0x62: {  	s17 =	smul.u32 $0x2400, s17;
	s22 =	sshrl.u32 s22, $0x8;
	s24 =	sshrl.u32 s29, $0x8  }
0x63: {  	s21 =	sadd.s32 s3, s21;
	s22 =	sand.u32 $0x7, s22;
	s24 =	smul.u32 $0x480, s24  }
0x64: {  	s20 =	sadd.s32 s20, s21;
	s30 =	smul.u32 $0x90, s22  }
.Ltmp5:
0x65: {  	s18 =	sadd.s32 s18, s20;
	s19 =	ssub.s32 s19, s24;
	(pc) =	sbr.rel .LBB1_7-.Ltmp5, $4  }
0x66: {  	s17 =	sadd.s32 s17, s18;
	s31 =	sand.u32 $0x7, s19  }
0x67: {  	s17 =	sadd.s32 s30, s17;
	s19 =	sshrl.u32 s19, $0x3;
	s18 =	sshll.u32 s31, $0x12  }
0x68: {  	s17 =	sadd.s32 s19, s17;
	s18 =	sor.u32 $0x400, s18  }
0x69: {  	[hbm4b:s17+s18] =	stream.strided.scatter [tilespmem:s23], [sflag:$0x2], $0x2000, s9, s18, $0x38;
	[tilespmem:$0x8000] =	vst v63  }
.LBB1_8:
0x6a: {  	_ =	sfence.sel $0x180000  }
0x6b: {  	s2 =	simm.s32 $0x1;
	[bflag:$0x0] =	sbarrier.arrive $0xFFFF  }
0x6c: {  	s31 =	simm.s32 $0x2;
	[sflag:s2] =	ssyncpa.u1 $0x1  }
0x6d: {  	[sflag:s31] =	ssyncpa.u1 $0x1  }
0x6e: {  	p0 =	sne.s32 s1, $0x0;
	_ =	strace $0x90000047  }
0x6f: {  	s0 =	sadd.s32 @!p0 $0x100000, s0;
	[bflag:$0x2] =	sbarrier.arrive $0xFFFF  }
0x70: {  	[sflag:s0] =	ssyncadd.tile.s32 @!p0 $0x1;
	_ =	shalt  }
.Lfunc_end1:
_tile_overlayer_lowered:
.L_overlay_start_2:
0x71: {  	(tag) =	ssettag $0x2  }
0x72: {  	s0 =	rddreg [dreg:$0x0];
	s2 =	stileid.u32  }
0x73: {  	s1 =	rddreg [dreg:$0x1];
	p0 =	sne.s32 s2, $0x0  }
0x74: {  	s3 =	rddreg [dreg:$0x2];
	[bflag:$0x3] =	sbarrier.arrive $0xFFFF;
	s2 =	simm.s32 @!p0 $0x1C01  }
0x75: {  	[timem:s3], [sflag:s2] =	dma.local @!p0 [hbm:s0], s1  }
0x76: {  	s0 =	simm.s32 @!p0 $0x1  }
0x77: {  	_ =	swait.ge @!p0 [sflag:s0], s1  }
0x78: {  	s1 =	ssub.s32 @!p0 $0x0, s1;
	[sflag:s0] =	ssyncset.done @!p0 $0x0  }
0x79: {  	[sflag:s0] =	ssyncadd.s32 @!p0 s1  }
0x7a: {  	[bflag:$0x3] =	sbarrier.arrive $0xFFFF  }
0x7b: {  	_ =	shalt  }

</sc_bundles>
